<compile_context>
chip_gen: v7x
topology: tpu7x:2x2x1
jax: 0.10.2.dev20260603
libtpu: 0.0.44.dev20260713+nightly
codegen_flags: <defaults>
</compile_context>

<pallas_src>
import dataclasses
import functools

import jax
import jax.numpy as jnp
from jax import lax
from jax.experimental import pallas as pl
from jax.experimental.pallas import tpu as pltpu
from jax.experimental.pallas import tpu_sc as plsc

N_NODES = 10000
N_EDGES = 320000
D_FEAT = 128
NITER = 10

NC, NS = 2, 16
NTILES = NC * NS
EDGES_PER_TILE = N_EDGES // NTILES
EDGES_PER_SUB = N_EDGES // NS
CHUNK = 80
N_PAD = 10240
ROWS_PER_TILE = N_PAD // NS
ZCH = 128
DEG_W = 16

_mesh = plsc.VectorSubcoreMesh(
    core_axis_name="c", subcore_axis_name="s", num_cores=NC, num_subcores=NS)


def _zero_fill(buf, rows, width):
    @pl.loop(0, rows)
    def _(i):
        @pl.loop(0, width // 16)
        def _(j):
            buf.at[pl.ds(i, 1), pl.ds(j * 16, 16)][...] = (
                jnp.zeros((1, 16), jnp.float32))


CH_H = 2000
N_HCH = EDGES_PER_SUB // CH_H

_cp_no_layout = pltpu.CompilerParams()
if "needs_layout_passes" in pltpu.CompilerParams.__dataclass_fields__:
    _cp_no_layout = dataclasses.replace(_cp_no_layout,
                                        needs_layout_passes=False)


@functools.partial(
    pl.kernel,
    compiler_params=_cp_no_layout,
    out_type=jax.ShapeDtypeStruct((2 * N_PAD,), jnp.float32),
    mesh=_mesh,
    scratch_types=[
        pltpu.VMEM_SHARED((NS, N_PAD), jnp.float32),
        pltpu.VMEM((N_PAD,), jnp.float32),
        pltpu.VMEM((CH_H,), jnp.int32),
        pltpu.VMEM((NS, ROWS_PER_TILE), jnp.float32),
        pltpu.VMEM((ROWS_PER_TILE,), jnp.float32),
    ],
)
def _deg_kernel(edges_hbm, deg_hbm, stg_sh, hist_v, idx_v, rbuf, obuf):
    cid = lax.axis_index("c")
    sid = lax.axis_index("s")
    ones16 = jnp.ones((16,), jnp.float32)

    @pl.loop(0, N_PAD // 16)
    def _(i):
        hist_v.at[pl.ds(i * 16, 16)][...] = jnp.zeros((16,), jnp.float32)

    @pl.loop(0, N_HCH)
    def _(k):
        off = cid * N_EDGES + sid * EDGES_PER_SUB + k * CH_H
        pltpu.sync_copy(edges_hbm.at[pl.ds(off, CH_H)], idx_v)

        @pl.loop(0, CH_H // 16)
        def _(j):
            iv = idx_v[pl.ds(j * 16, 16)]
            plsc.addupdate_scatter(hist_v, [iv], ones16)

    pltpu.sync_copy(hist_v, stg_sh.at[sid])
    plsc.subcore_barrier()

    pltpu.sync_copy(
        stg_sh.at[pl.ds(0, NS), pl.ds(sid * ROWS_PER_TILE, ROWS_PER_TILE)],
        rbuf)

    @pl.loop(0, ROWS_PER_TILE // 16)
    def _(j):
        acc = rbuf[0, pl.ds(j * 16, 16)]
        def add_row(t, a):
            return a + rbuf[t, pl.ds(j * 16, 16)]
        acc = lax.fori_loop(1, NS, add_row, acc)
        obuf.at[pl.ds(j * 16, 16)][...] = acc

    pltpu.sync_copy(
        obuf, deg_hbm.at[pl.ds(cid * N_PAD + sid * ROWS_PER_TILE,
                               ROWS_PER_TILE)])


CHUNK2 = 128
N_BLKS = EDGES_PER_TILE // CHUNK2
TAIL = EDGES_PER_TILE - N_BLKS * CHUNK2
G_CH = 13
G_IDX = G_CH * CHUNK2
N_GRP = N_BLKS // G_CH
AZCH = 64


@functools.partial(
    pl.kernel,
    out_type=jax.ShapeDtypeStruct((NC, N_PAD, D_FEAT), jnp.float32),
    mesh=_mesh,
    scratch_types=[
        pltpu.VMEM_SHARED((N_PAD, D_FEAT), jnp.float32),
        pltpu.VMEM((G_IDX,), jnp.int32),
        pltpu.VMEM((G_IDX,), jnp.int32),
        pltpu.VMEM((CHUNK2,), jnp.int32),
        pltpu.VMEM((CHUNK2,), jnp.int32),
        pltpu.VMEM((CHUNK2,), jnp.int32),
        pltpu.VMEM((CHUNK2,), jnp.int32),
        pltpu.VMEM((TAIL,), jnp.int32),
        pltpu.VMEM((TAIL,), jnp.int32),
        pltpu.VMEM((CHUNK2, D_FEAT), jnp.float32),
        pltpu.VMEM((CHUNK2, D_FEAT), jnp.float32),
        pltpu.VMEM((TAIL, D_FEAT), jnp.float32),
        pltpu.VMEM((AZCH, D_FEAT), jnp.float32),
        pltpu.SemaphoreType.DMA,
        pltpu.SemaphoreType.DMA,
    ],
)
def _agg_kernel(fs_hbm, edges_hbm, acc_hbm, acc_sh, sg_v, dg_v, sidx_a,
                didx_a, sidx_b, didx_b, sidx_t, didx_t, rows_a, rows_b,
                rows_t, zbuf, sem_a, sem_b):
    cid = lax.axis_index("c")
    sid = lax.axis_index("s")
    wid = cid * NS + sid
    _zero_fill(zbuf, AZCH, D_FEAT)

    @pl.loop(0, ROWS_PER_TILE // AZCH)
    def _(k):
        pltpu.sync_copy(zbuf,
                        acc_sh.at[pl.ds(sid * ROWS_PER_TILE + k * AZCH, AZCH)])

    plsc.subcore_barrier()

    base = wid * EDGES_PER_TILE

    def copy_idx(slot, sidx, didx):
        @pl.loop(0, CHUNK2 // 16)
        def _(i):
            sidx.at[pl.ds(i * 16, 16)][...] = sg_v[pl.ds(slot * CHUNK2 + i * 16, 16)]
            didx.at[pl.ds(i * 16, 16)][...] = dg_v[pl.ds(slot * CHUNK2 + i * 16, 16)]

    @pl.loop(0, N_GRP)
    def _(g):
        goff = base + g * G_IDX
        pltpu.sync_copy(edges_hbm.at[pl.ds(goff, G_IDX)], sg_v)
        pltpu.sync_copy(edges_hbm.at[pl.ds(N_EDGES + goff, G_IDX)], dg_v)

        copy_idx(0, sidx_a, didx_a)
        pltpu.async_copy(fs_hbm.at[sidx_a], rows_a, sem_a)

        @pl.loop(0, (G_CH - 1) // 2)
        def _(k):
            copy_idx(2 * k + 1, sidx_b, didx_b)
            pltpu.async_copy(fs_hbm.at[sidx_b], rows_b, sem_b)
            pltpu.make_async_copy(fs_hbm.at[sidx_a], rows_a, sem_a).wait()
            pltpu.sync_copy(rows_a, acc_sh.at[didx_a], add=True)
            copy_idx(2 * k + 2, sidx_a, didx_a)
            pltpu.async_copy(fs_hbm.at[sidx_a], rows_a, sem_a)
            pltpu.make_async_copy(fs_hbm.at[sidx_b], rows_b, sem_b).wait()
            pltpu.sync_copy(rows_b, acc_sh.at[didx_b], add=True)

        pltpu.make_async_copy(fs_hbm.at[sidx_a], rows_a, sem_a).wait()
        pltpu.sync_copy(rows_a, acc_sh.at[didx_a], add=True)

    toff = base + N_BLKS * CHUNK2
    pltpu.sync_copy(edges_hbm.at[pl.ds(toff, TAIL)], sidx_t)
    pltpu.sync_copy(edges_hbm.at[pl.ds(N_EDGES + toff, TAIL)], didx_t)
    pltpu.async_copy(fs_hbm.at[sidx_t], rows_t, sem_a).wait()
    pltpu.sync_copy(rows_t, acc_sh.at[didx_t], add=True)

    plsc.subcore_barrier()
    pltpu.sync_copy(
        acc_sh.at[pl.ds(sid * ROWS_PER_TILE, ROWS_PER_TILE)],
        acc_hbm.at[cid, pl.ds(sid * ROWS_PER_TILE, ROWS_PER_TILE)])


def _fs_body(feat_ref, deg_ref, fs_ref):
    sn = lax.rsqrt(jnp.maximum(deg_ref[...], 1.0))
    fs_ref[...] = feat_ref[...] * sn


_fs_call = pl.pallas_call(
    _fs_body,
    out_shape=jax.ShapeDtypeStruct((N_NODES, D_FEAT), jnp.float32),
)


FIN_B = 1000


def _fin_body(pp_ref, deg_ref, feat_ref, w_ref, b_ref, x_ref, steps_ref,
              rem_ref):
    dn = lax.rsqrt(jnp.maximum(deg_ref[...], 1.0))
    prop = (pp_ref[0] + pp_ref[1]) * dn
    lg = jnp.dot(prop, w_ref[...])[:, 0:1] + b_ref[...]
    h = jax.nn.sigmoid(lg)
    steps = jnp.ones((FIN_B, 1), jnp.float32)
    sum_h = jnp.zeros((FIN_B, 1), jnp.float32)
    cont = jnp.ones((FIN_B, 1), dtype=jnp.bool_)
    acoef = jnp.zeros((FIN_B, 1), jnp.float32)
    bcoef = jnp.zeros((FIN_B, 1), jnp.float32)
    for k in range(NITER):
        cf = cont.astype(jnp.float32)
        pm = (sum_h + h < 0.99) & cont
        pf = pm.astype(jnp.float32)
        steps = steps + pf
        sum_h = sum_h + pf * h
        cond = pm & (steps < float(NITER))
        p = jnp.where(cond, sum_h, 1.0 - sum_h)
        if k == 0:
            acoef = acoef + p * cf
            bcoef = bcoef + (1.0 - p) * cf
        else:
            acoef = acoef + cf
        cont = cont & pm
    x_ref[...] = (acoef * prop + bcoef * feat_ref[...]) / steps
    steps_ref[...] = steps
    rem_ref[...] = 1.0 - sum_h


_fin_call = pl.pallas_call(
    _fin_body,
    grid=(N_NODES // FIN_B,),
    in_specs=[
        pl.BlockSpec((2, FIN_B, D_FEAT), lambda i: (0, i, 0)),
        pl.BlockSpec((FIN_B, 1), lambda i: (i, 0)),
        pl.BlockSpec((FIN_B, D_FEAT), lambda i: (i, 0)),
        pl.BlockSpec((D_FEAT, D_FEAT), lambda i: (0, 0)),
        pl.BlockSpec((1, 1), lambda i: (0, 0)),
    ],
    out_specs=(
        pl.BlockSpec((FIN_B, D_FEAT), lambda i: (i, 0)),
        pl.BlockSpec((FIN_B, 1), lambda i: (i, 0)),
        pl.BlockSpec((FIN_B, 1), lambda i: (i, 0)),
    ),
    out_shape=(
        jax.ShapeDtypeStruct((N_NODES, D_FEAT), jnp.float32),
        jax.ShapeDtypeStruct((N_NODES, 1), jnp.float32),
        jax.ShapeDtypeStruct((N_NODES, 1), jnp.float32),
    ),
)


@jax.jit
def kernel(feature, edge_index, W_halt, b_halt):
    edges_flat = edge_index.reshape(-1)
    degs = _deg_kernel(edges_flat)
    out_deg = degs[0:N_NODES, None]
    in_deg = degs[N_PAD:N_PAD + N_NODES, None]
    fs = _fs_call(feature, out_deg)
    pp = _agg_kernel(fs, edges_flat)
    w128 = jnp.zeros((D_FEAT, D_FEAT), jnp.float32).at[:, 0].set(W_halt[0])
    x, steps2, rem2 = _fin_call(pp, in_deg, feature, w128,
                                b_halt.reshape(1, 1))
    return (x, steps2.reshape(-1), rem2.reshape(-1))

# --- scband reference (transcript-rebuilt; emitter-appended) ---
"""Pipeline reference for scband-aplayer-65919158059653 (READ-ONLY COPY).

The authoritative reference and input builder live on the scoring server;
editing this copy changes nothing except your own understanding.
"""

import jax, jax.numpy as jnp
import numpy as np
import math

N_NODES = 10000
N_EDGES = 320000
D_FEAT = 128
NITER = 10


def setup_inputs(seed: int = 0):
    key = jax.random.key(seed)
    k1, k2, k3, k4 = jax.random.split(key, 4)
    feature = jax.random.normal(k1, (N_NODES, D_FEAT), dtype=jnp.float32)
    src = jax.random.randint(k2, (N_EDGES,), 0, N_NODES)
    dst = jax.random.randint(k3, (N_EDGES,), 0, N_NODES)
    edge_index = jnp.stack([src, dst]).astype(jnp.int32)
    bound = 1.0 / math.sqrt(D_FEAT)
    W_halt = jax.random.uniform(k4, (1, D_FEAT), minval=-bound, maxval=bound, dtype=jnp.float32)
    xval = (NITER + 1) // 1
    b_halt = jnp.full((1,), math.log(1.0 / xval / (1.0 - 1.0 / xval)), dtype=jnp.float32)
    return {"feature": feature, "edge_index": edge_index, "W_halt": W_halt, "b_halt": b_halt}


def _propagate(feature, src, dst, n):
    # symmetric-normalized sum aggregation (DGL u_mul_e with w=1, edge_drop p=0.0)
    ones_e = jnp.ones((src.shape[0],), dtype=jnp.float32)
    out_deg = jax.ops.segment_sum(ones_e, src, num_segments=n)
    in_deg = jax.ops.segment_sum(ones_e, dst, num_segments=n)
    src_norm = jnp.power(jnp.maximum(out_deg, 1.0), -0.5)
    dst_norm = jnp.power(jnp.maximum(in_deg, 1.0), -0.5)
    feat = feature * src_norm[:, None]
    m = feat[src]
    agg = jax.ops.segment_sum(m, dst, num_segments=n)
    return agg * dst_norm[:, None]


def reference(feature, edge_index, W_halt, b_halt):
    n = feature.shape[0]
    src = edge_index[0]
    dst = edge_index[1]
    steps = jnp.ones((n,), dtype=jnp.float32)
    sum_h = jnp.zeros((n,), dtype=jnp.float32)
    continue_mask = jnp.ones((n,), dtype=bool)
    x = jnp.zeros_like(feature)
    prop = feature  # self.dropout identity in eval mode
    for _ in range(NITER):
        old_prop = prop
        continue_fmask = continue_mask.astype(jnp.float32)
        prop = _propagate(feature, src, dst, n)  # faithful: original code propagates `feature` each iter
        h = jax.nn.sigmoid(prop @ W_halt.T + b_halt).reshape(-1)
        prob_mask = (sum_h + h < 0.99) & continue_mask
        prob_fmask = prob_mask.astype(jnp.float32)
        steps = steps + prob_fmask
        sum_h = sum_h + prob_fmask * h
        final_iter = steps < NITER
        condition = prob_mask & final_iter
        p = jnp.where(condition, sum_h, 1.0 - sum_h)
        to_update = continue_fmask[:, None]
        x = x + (prop * p[:, None] + old_prop * (1.0 - p)[:, None]) * to_update
        continue_mask = continue_mask & prob_mask
    x = x / steps[:, None]
    return (x, steps, 1.0 - sum_h)

if __name__ == "__main__":
    import jax
    _d = setup_inputs()
    print(jax.jit(kernel)(*tuple(_d.values())))

</pallas_src>

<mosaic_0001>
#map = affine_map<(d0, d1) -> (0)>
module attributes {stable_mosaic.version = 14 : i64} {
  func.func @_deg_kernel(%arg0: i32, %arg1: i32, %arg2: memref<640000xi32, #tpu.memory_space<hbm>>, %arg3: memref<20480xf32, #tpu.memory_space<hbm>>, %arg4: memref<16x10240xf32, #tpu.memory_space<vmem_shared>>, %arg5: memref<10240xf32, #tpu.memory_space<vmem>>, %arg6: memref<2000xi32, #tpu.memory_space<vmem>>, %arg7: memref<16x640xf32, #tpu.memory_space<vmem>>, %arg8: memref<640xf32, #tpu.memory_space<vmem>>) attributes {dimension_semantics = [#tpu.dimension_semantics<core_parallel>, #tpu.dimension_semantics<subcore_parallel>], iteration_bounds = array<i64: 2, 16>, scalar_prefetch = 0 : i64, scratch_operands = 5 : i64, tpu.core_type = #tpu.core_type<sc_vector_subcore>, window_params = [{transform_indices = #map}, {transform_indices = #map}]} {
    %broadcast_in_dim3A = arith.constant 1.000000e+00 : f32
    %broadcast_in_dim3A_0 = vector.broadcast %broadcast_in_dim3A : f32 to vector<16xf32>
    %scan3A = arith.constant 0 : i32
    %scan3A_1 = arith.constant 640 : i32
    %scan3A_2 = arith.addi %scan3A, %scan3A_1 : i32
    %scan3A_3 = arith.constant 1 : i32
    scf.for %scan3A_20 = %scan3A to %scan3A_2 step %scan3A_3  : i32 {
      %mul3A_21 = arith.constant 1 : i32
      %mul3A_22 = arith.muli %scan3A_20, %mul3A_21 : i32
      %add3A_23 = arith.constant 0 : i32
      %add3A_24 = arith.addi %add3A_23, %mul3A_22 : i32
      %broadcast_in_dim3A_25 = arith.constant 0.000000e+00 : f32
      %broadcast_in_dim3A_26 = vector.broadcast %broadcast_in_dim3A_25 : f32 to vector<16xf32>
      %mul3A_27 = arith.constant 16 : i32
      %mul3A_28 = arith.muli %add3A_24, %mul3A_27 : i32
      %swap3A = arith.index_cast %mul3A_28 : i32 to index
      %swap3A_29 = tpu.vector_load %arg5[%swap3A] {strides = array<i32>} : memref<10240xf32, #tpu.memory_space<vmem>>, vector<16xf32>,
      tpu.vector_store %arg5[%swap3A], %broadcast_in_dim3A_26 {strides = array<i32>} : memref<10240xf32, #tpu.memory_space<vmem>>, vector<16xf32>,
    }
    %scan3A_4 = arith.constant 640 : i32
    %scan3A_5 = arith.constant 0 : i32
    %scan3A_6 = arith.constant 10 : i32
    %scan3A_7 = arith.addi %scan3A_5, %scan3A_6 : i32
    %scan3A_8 = arith.constant 1 : i32
    scf.for %scan3A_20 = %scan3A_5 to %scan3A_7 step %scan3A_8  : i32 {
      %mul3A_21 = arith.constant 1 : i32
      %mul3A_22 = arith.muli %scan3A_20, %mul3A_21 : i32
      %add3A_23 = arith.constant 0 : i32
      %add3A_24 = arith.addi %add3A_23, %mul3A_22 : i32
      %mul3A_25 = arith.constant 320000 : i32
      %mul3A_26 = arith.muli %arg0, %mul3A_25 : i32
      %mul3A_27 = arith.constant 20000 : i32
      %mul3A_28 = arith.muli %arg1, %mul3A_27 : i32
      %add3A_29 = arith.addi %mul3A_26, %mul3A_28 : i32
      %mul3A_30 = arith.constant 2000 : i32
      %mul3A_31 = arith.muli %add3A_24, %mul3A_30 : i32
      %add3A_32 = arith.addi %add3A_29, %mul3A_31 : i32
      "tpu.region"() ({
        %run_scoped3A = tpu.sem_alloc : memref<!tpu.dma_semaphore, #tpu.memory_space<semaphore_mem>>
        %dma_start3A = tpu.memref_slice %arg2[%add3A_32] : memref<640000xi32, #tpu.memory_space<hbm>> -> memref<2000xi32, #tpu.memory_space<hbm>>
        %dma_start3A_38 = tpu.memref_slice %arg2[%add3A_32] : memref<640000xi32, #tpu.memory_space<hbm>> -> memref<2000xi32, #tpu.memory_space<hbm>>
        tpu.enqueue_dma source(%dma_start3A_38 : memref<2000xi32, #tpu.memory_space<hbm>>) target(%arg6 : memref<2000xi32, #tpu.memory_space<vmem>>) target_semaphore(%run_scoped3A : memref<!tpu.dma_semaphore, #tpu.memory_space<semaphore_mem>>)
        %dma_wait3A = tpu.memref_slice %arg2[%add3A_32] : memref<640000xi32, #tpu.memory_space<hbm>> -> memref<2000xi32, #tpu.memory_space<hbm>>
        %dma_wait3A_39 = tpu.memref_slice %arg2[%add3A_32] : memref<640000xi32, #tpu.memory_space<hbm>> -> memref<2000xi32, #tpu.memory_space<hbm>>
        tpu.wait_dma2 semaphore(%run_scoped3A : memref<!tpu.dma_semaphore, #tpu.memory_space<semaphore_mem>>) src(%dma_wait3A_39 : memref<2000xi32, #tpu.memory_space<hbm>>) dst(%arg6 : memref<2000xi32, #tpu.memory_space<vmem>>)
        tpu.yield
      }) : () -> ()
      %scan3A_33 = arith.constant 0 : i32
      %scan3A_34 = arith.constant 125 : i32
      %scan3A_35 = arith.addi %scan3A_33, %scan3A_34 : i32
      %scan3A_36 = arith.constant 1 : i32
      scf.for %scan3A_38 = %scan3A_33 to %scan3A_35 step %scan3A_36  : i32 {
        %mul3A_39 = arith.constant 1 : i32
        %mul3A_40 = arith.muli %scan3A_38, %mul3A_39 : i32
        %add3A_41 = arith.constant 0 : i32
        %add3A_42 = arith.addi %add3A_41, %mul3A_40 : i32
        %mul3A_43 = arith.constant 16 : i32
        %mul3A_44 = arith.muli %add3A_42, %mul3A_43 : i32
        %get3A = arith.index_cast %mul3A_44 : i32 to index
        %get3A_45 = tpu.vector_load %arg6[%get3A] {strides = array<i32>} : memref<2000xi32, #tpu.memory_space<vmem>>, vector<16xi32>,
        tpu.vector_store_idx %arg5[%get3A_45], %broadcast_in_dim3A_0 {add = true} : memref<10240xf32, #tpu.memory_space<vmem>>[vector<16xi32>], vector<16xf32>,
      }
      %scan3A_37 = arith.constant 125 : i32
    }
    %scan3A_9 = arith.constant 10 : i32
    "tpu.region"() ({
      %run_scoped3A = tpu.sem_alloc : memref<!tpu.dma_semaphore, #tpu.memory_space<semaphore_mem>>
      %dma_start3A = arith.constant 0 : i32
      %dma_start3A_20 = tpu.memref_slice %arg4[%arg1, %dma_start3A] : memref<16x10240xf32, #tpu.memory_space<vmem_shared>> -> memref<1x10240xf32, #tpu.memory_space<vmem_shared>>
      %dma_start3A_21 = tpu.memref_squeeze %dma_start3A_20 : memref<1x10240xf32, #tpu.memory_space<vmem_shared>> -> memref<10240xf32, #tpu.memory_space<vmem_shared>>
      %dma_start3A_22 = arith.constant 0 : i32
      %dma_start3A_23 = tpu.memref_slice %arg4[%arg1, %dma_start3A_22] : memref<16x10240xf32, #tpu.memory_space<vmem_shared>> -> memref<1x10240xf32, #tpu.memory_space<vmem_shared>>
      %dma_start3A_24 = tpu.memref_squeeze %dma_start3A_23 : memref<1x10240xf32, #tpu.memory_space<vmem_shared>> -> memref<10240xf32, #tpu.memory_space<vmem_shared>>
      tpu.enqueue_dma source(%arg5 : memref<10240xf32, #tpu.memory_space<vmem>>) target(%dma_start3A_24 : memref<10240xf32, #tpu.memory_space<vmem_shared>>) target_semaphore(%run_scoped3A : memref<!tpu.dma_semaphore, #tpu.memory_space<semaphore_mem>>)
      %dma_wait3A = arith.constant 0 : i32
      %dma_wait3A_25 = tpu.memref_slice %arg4[%arg1, %dma_wait3A] : memref<16x10240xf32, #tpu.memory_space<vmem_shared>> -> memref<1x10240xf32, #tpu.memory_space<vmem_shared>>
      %dma_wait3A_26 = tpu.memref_squeeze %dma_wait3A_25 : memref<1x10240xf32, #tpu.memory_space<vmem_shared>> -> memref<10240xf32, #tpu.memory_space<vmem_shared>>
      %dma_wait3A_27 = arith.constant 0 : i32
      %dma_wait3A_28 = tpu.memref_slice %arg4[%arg1, %dma_wait3A_27] : memref<16x10240xf32, #tpu.memory_space<vmem_shared>> -> memref<1x10240xf32, #tpu.memory_space<vmem_shared>>
      %dma_wait3A_29 = tpu.memref_squeeze %dma_wait3A_28 : memref<1x10240xf32, #tpu.memory_space<vmem_shared>> -> memref<10240xf32, #tpu.memory_space<vmem_shared>>
      tpu.wait_dma2 semaphore(%run_scoped3A : memref<!tpu.dma_semaphore, #tpu.memory_space<semaphore_mem>>) src(%arg5 : memref<10240xf32, #tpu.memory_space<vmem>>) dst(%dma_wait3A_29 : memref<10240xf32, #tpu.memory_space<vmem_shared>>)
      tpu.yield
    }) : () -> ()
    %barrier3A = arith.constant 0 : index
    tpu.barrier barrier_id(%barrier3A)
    %mul3A = arith.constant 640 : i32
    %mul3A_10 = arith.muli %arg1, %mul3A : i32
    "tpu.region"() ({
      %run_scoped3A = tpu.sem_alloc : memref<!tpu.dma_semaphore, #tpu.memory_space<semaphore_mem>>
      %dma_start3A = arith.constant 0 : i32
      %dma_start3A_20 = tpu.memref_slice %arg4[%dma_start3A, %mul3A_10] : memref<16x10240xf32, #tpu.memory_space<vmem_shared>> -> memref<16x640xf32, #tpu.memory_space<vmem_shared>>
      %dma_start3A_21 = arith.constant 0 : i32
      %dma_start3A_22 = tpu.memref_slice %arg4[%dma_start3A_21, %mul3A_10] : memref<16x10240xf32, #tpu.memory_space<vmem_shared>> -> memref<16x640xf32, #tpu.memory_space<vmem_shared>>
      tpu.enqueue_dma source(%dma_start3A_22 : memref<16x640xf32, #tpu.memory_space<vmem_shared>>) target(%arg7 : memref<16x640xf32, #tpu.memory_space<vmem>>) target_semaphore(%run_scoped3A : memref<!tpu.dma_semaphore, #tpu.memory_space<semaphore_mem>>)
      %dma_wait3A = arith.constant 0 : i32
      %dma_wait3A_23 = tpu.memref_slice %arg4[%dma_wait3A, %mul3A_10] : memref<16x10240xf32, #tpu.memory_space<vmem_shared>> -> memref<16x640xf32, #tpu.memory_space<vmem_shared>>
      %dma_wait3A_24 = arith.constant 0 : i32
      %dma_wait3A_25 = tpu.memref_slice %arg4[%dma_wait3A_24, %mul3A_10] : memref<16x10240xf32, #tpu.memory_space<vmem_shared>> -> memref<16x640xf32, #tpu.memory_space<vmem_shared>>
      tpu.wait_dma2 semaphore(%run_scoped3A : memref<!tpu.dma_semaphore, #tpu.memory_space<semaphore_mem>>) src(%dma_wait3A_25 : memref<16x640xf32, #tpu.memory_space<vmem_shared>>) dst(%arg7 : memref<16x640xf32, #tpu.memory_space<vmem>>)
      tpu.yield
    }) : () -> ()
    %scan3A_11 = arith.constant 0 : i32
    %scan3A_12 = arith.constant 40 : i32
    %scan3A_13 = arith.addi %scan3A_11, %scan3A_12 : i32
    %scan3A_14 = arith.constant 1 : i32
    scf.for %scan3A_20 = %scan3A_11 to %scan3A_13 step %scan3A_14  : i32 {
      %mul3A_21 = arith.constant 1 : i32
      %mul3A_22 = arith.muli %scan3A_20, %mul3A_21 : i32
      %add3A_23 = arith.constant 0 : i32
      %add3A_24 = arith.addi %add3A_23, %mul3A_22 : i32
      %mul3A_25 = arith.constant 16 : i32
      %mul3A_26 = arith.muli %add3A_24, %mul3A_25 : i32
      %get3A = arith.constant 0 : i32
      %get3A_27 = arith.index_cast %get3A : i32 to index
      %get3A_28 = arith.index_cast %mul3A_26 : i32 to index
      %get3A_29 = tpu.vector_load %arg7[%get3A_27, %get3A_28] {strides = array<i32>} : memref<16x640xf32, #tpu.memory_space<vmem>>, vector<16xf32>,
      %scan3A_30 = arith.constant 1 : i32
      %scan3A_31 = arith.constant 15 : i32
      %scan3A_32 = arith.addi %scan3A_30, %scan3A_31 : i32
      %scan3A_33 = arith.constant 1 : i32
      %scan3A_34 = scf.for %scan3A_39 = %scan3A_30 to %scan3A_32 step %scan3A_33 iter_args(%scan3A_40 = %get3A_29) -> (vector<16xf32>)  : i32 {
        %mul3A_41 = arith.constant 16 : i32
        %mul3A_42 = arith.muli %add3A_24, %mul3A_41 : i32
        %get3A_43 = arith.index_cast %scan3A_39 : i32 to index
        %get3A_44 = arith.index_cast %mul3A_42 : i32 to index
        %get3A_45 = tpu.vector_load %arg7[%get3A_43, %get3A_44] {strides = array<i32>} : memref<16x640xf32, #tpu.memory_space<vmem>>, vector<16xf32>,
        %add3A_46 = arith.addf %scan3A_40, %get3A_45 : vector<16xf32>
        scf.yield %add3A_46 : vector<16xf32>
      }
      %scan3A_35 = arith.constant 15 : i32
      %mul3A_36 = arith.constant 16 : i32
      %mul3A_37 = arith.muli %add3A_24, %mul3A_36 : i32
      %swap3A = arith.index_cast %mul3A_37 : i32 to index
      %swap3A_38 = tpu.vector_load %arg8[%swap3A] {strides = array<i32>} : memref<640xf32, #tpu.memory_space<vmem>>, vector<16xf32>,
      tpu.vector_store %arg8[%swap3A], %scan3A_34 {strides = array<i32>} : memref<640xf32, #tpu.memory_space<vmem>>, vector<16xf32>,
    }
    %scan3A_15 = arith.constant 40 : i32
    %mul3A_16 = arith.constant 10240 : i32
    %mul3A_17 = arith.muli %arg0, %mul3A_16 : i32
    %mul3A_18 = arith.constant 640 : i32
    %mul3A_19 = arith.muli %arg1, %mul3A_18 : i32
    %add3A = arith.addi %mul3A_17, %mul3A_19 : i32
    "tpu.region"() ({
      %run_scoped3A = tpu.sem_alloc : memref<!tpu.dma_semaphore, #tpu.memory_space<semaphore_mem>>
      %dma_start3A = tpu.memref_slice %arg3[%add3A] : memref<20480xf32, #tpu.memory_space<hbm>> -> memref<640xf32, #tpu.memory_space<hbm>>
      %dma_start3A_20 = tpu.memref_slice %arg3[%add3A] : memref<20480xf32, #tpu.memory_space<hbm>> -> memref<640xf32, #tpu.memory_space<hbm>>
      tpu.enqueue_dma source(%arg8 : memref<640xf32, #tpu.memory_space<vmem>>) target(%dma_start3A_20 : memref<640xf32, #tpu.memory_space<hbm>>) target_semaphore(%run_scoped3A : memref<!tpu.dma_semaphore, #tpu.memory_space<semaphore_mem>>)
      %dma_wait3A = tpu.memref_slice %arg3[%add3A] : memref<20480xf32, #tpu.memory_space<hbm>> -> memref<640xf32, #tpu.memory_space<hbm>>
      %dma_wait3A_21 = tpu.memref_slice %arg3[%add3A] : memref<20480xf32, #tpu.memory_space<hbm>> -> memref<640xf32, #tpu.memory_space<hbm>>
      tpu.wait_dma2 semaphore(%run_scoped3A : memref<!tpu.dma_semaphore, #tpu.memory_space<semaphore_mem>>) src(%arg8 : memref<640xf32, #tpu.memory_space<vmem>>) dst(%dma_wait3A_21 : memref<640xf32, #tpu.memory_space<hbm>>)
      tpu.yield
    }) : () -> ()
    return
  }
}

#map = affine_map<(d0, d1) -> (0, 0)>
#map1 = affine_map<(d0, d1) -> (0)>
#map2 = affine_map<(d0, d1) -> (0, 0, 0)>
module attributes {stable_mosaic.version = 14 : i64} {
  func.func @_agg_kernel(%arg0: i32, %arg1: i32, %arg2: memref<10000x128xf32, #tpu.memory_space<hbm>>, %arg3: memref<640000xi32, #tpu.memory_space<hbm>>, %arg4: memref<2x10240x128xf32, #tpu.memory_space<hbm>>, %arg5: memref<10240x128xf32, #tpu.memory_space<vmem_shared>>, %arg6: memref<1664xi32, #tpu.memory_space<vmem>>, %arg7: memref<1664xi32, #tpu.memory_space<vmem>>, %arg8: memref<128xi32, #tpu.memory_space<vmem>>, %arg9: memref<128xi32, #tpu.memory_space<vmem>>, %arg10: memref<128xi32, #tpu.memory_space<vmem>>, %arg11: memref<128xi32, #tpu.memory_space<vmem>>, %arg12: memref<16xi32, #tpu.memory_space<vmem>>, %arg13: memref<16xi32, #tpu.memory_space<vmem>>, %arg14: memref<128x128xf32, #tpu.memory_space<vmem>>, %arg15: memref<128x128xf32, #tpu.memory_space<vmem>>, %arg16: memref<16x128xf32, #tpu.memory_space<vmem>>, %arg17: memref<64x128xf32, #tpu.memory_space<vmem>>, %arg18: memref<!tpu.dma_semaphore, #tpu.memory_space<semaphore_mem>>, %arg19: memref<!tpu.dma_semaphore, #tpu.memory_space<semaphore_mem>>) attributes {dimension_semantics = [#tpu.dimension_semantics<core_parallel>, #tpu.dimension_semantics<subcore_parallel>], iteration_bounds = array<i64: 2, 16>, scalar_prefetch = 0 : i64, scratch_operands = 15 : i64, tpu.core_type = #tpu.core_type<sc_vector_subcore>, window_params = [{transform_indices = #map}, {transform_indices = #map1}, {transform_indices = #map2}]} {
    %mul3A = arith.constant 16 : i32
    %mul3A_0 = arith.muli %arg0, %mul3A : i32
    %add3A = arith.addi %mul3A_0, %arg1 : i32
    %scan3A = arith.constant 0 : i32
    %scan3A_1 = arith.constant 64 : i32
    %scan3A_2 = arith.addi %scan3A, %scan3A_1 : i32
    %scan3A_3 = arith.constant 1 : i32
    scf.for %scan3A_30 = %scan3A to %scan3A_2 step %scan3A_3  : i32 {
      %mul3A_31 = arith.constant 1 : i32
      %mul3A_32 = arith.muli %scan3A_30, %mul3A_31 : i32
      %add3A_33 = arith.constant 0 : i32
      %add3A_34 = arith.addi %add3A_33, %mul3A_32 : i32
      %scan3A_35 = arith.constant 0 : i32
      %scan3A_36 = arith.constant 8 : i32
      %scan3A_37 = arith.addi %scan3A_35, %scan3A_36 : i32
      %scan3A_38 = arith.constant 1 : i32
      scf.for %scan3A_40 = %scan3A_35 to %scan3A_37 step %scan3A_38  : i32 {
        %mul3A_41 = arith.constant 1 : i32
        %mul3A_42 = arith.muli %scan3A_40, %mul3A_41 : i32
        %add3A_43 = arith.constant 0 : i32
        %add3A_44 = arith.addi %add3A_43, %mul3A_42 : i32
        %broadcast_in_dim3A = arith.constant 0.000000e+00 : f32
        %broadcast_in_dim3A_45 = vector.broadcast %broadcast_in_dim3A : f32 to vector<1x16xf32>
        %mul3A_46 = arith.constant 16 : i32
        %mul3A_47 = arith.muli %add3A_44, %mul3A_46 : i32
        %swap3A = arith.index_cast %add3A_34 : i32 to index
        %swap3A_48 = arith.index_cast %mul3A_47 : i32 to index
        %swap3A_49 = tpu.vector_load %arg17[%swap3A, %swap3A_48] {strides = array<i32>} : memref<64x128xf32, #tpu.memory_space<vmem>>, vector<1x16xf32>,
        %swap3A_50 = vector.shape_cast %swap3A_49 : vector<1x16xf32> to vector<1x16xf32>
        %swap3A_51 = vector.shape_cast %broadcast_in_dim3A_45 : vector<1x16xf32> to vector<1x16xf32>
        tpu.vector_store %arg17[%swap3A, %swap3A_48], %swap3A_51 {strides = array<i32>} : memref<64x128xf32, #tpu.memory_space<vmem>>, vector<1x16xf32>,
      }
      %scan3A_39 = arith.constant 8 : i32
    }
    %scan3A_4 = arith.constant 64 : i32
    %scan3A_5 = arith.constant 0 : i32
    %scan3A_6 = arith.constant 10 : i32
    %scan3A_7 = arith.addi %scan3A_5, %scan3A_6 : i32
    %scan3A_8 = arith.constant 1 : i32
    scf.for %scan3A_30 = %scan3A_5 to %scan3A_7 step %scan3A_8  : i32 {
      %mul3A_31 = arith.constant 1 : i32
      %mul3A_32 = arith.muli %scan3A_30, %mul3A_31 : i32
      %add3A_33 = arith.constant 0 : i32
      %add3A_34 = arith.addi %add3A_33, %mul3A_32 : i32
      %mul3A_35 = arith.constant 640 : i32
      %mul3A_36 = arith.muli %arg1, %mul3A_35 : i32
      %mul3A_37 = arith.constant 64 : i32
      %mul3A_38 = arith.muli %add3A_34, %mul3A_37 : i32
      %add3A_39 = arith.addi %mul3A_36, %mul3A_38 : i32
      "tpu.region"() ({
        %run_scoped3A = tpu.sem_alloc : memref<!tpu.dma_semaphore, #tpu.memory_space<semaphore_mem>>
        %dma_start3A_40 = arith.constant 0 : i32
        %dma_start3A_41 = tpu.memref_slice %arg5[%add3A_39, %dma_start3A_40] : memref<10240x128xf32, #tpu.memory_space<vmem_shared>> -> memref<64x128xf32, #tpu.memory_space<vmem_shared>>
        %dma_start3A_42 = arith.constant 0 : i32
        %dma_start3A_43 = tpu.memref_slice %arg5[%add3A_39, %dma_start3A_42] : memref<10240x128xf32, #tpu.memory_space<vmem_shared>> -> memref<64x128xf32, #tpu.memory_space<vmem_shared>>
        tpu.enqueue_dma source(%arg17 : memref<64x128xf32, #tpu.memory_space<vmem>>) target(%dma_start3A_43 : memref<64x128xf32, #tpu.memory_space<vmem_shared>>) target_semaphore(%run_scoped3A : memref<!tpu.dma_semaphore, #tpu.memory_space<semaphore_mem>>)
        %dma_wait3A_44 = arith.constant 0 : i32
        %dma_wait3A_45 = tpu.memref_slice %arg5[%add3A_39, %dma_wait3A_44] : memref<10240x128xf32, #tpu.memory_space<vmem_shared>> -> memref<64x128xf32, #tpu.memory_space<vmem_shared>>
        %dma_wait3A_46 = arith.constant 0 : i32
        %dma_wait3A_47 = tpu.memref_slice %arg5[%add3A_39, %dma_wait3A_46] : memref<10240x128xf32, #tpu.memory_space<vmem_shared>> -> memref<64x128xf32, #tpu.memory_space<vmem_shared>>
        tpu.wait_dma2 semaphore(%run_scoped3A : memref<!tpu.dma_semaphore, #tpu.memory_space<semaphore_mem>>) src(%arg17 : memref<64x128xf32, #tpu.memory_space<vmem>>) dst(%dma_wait3A_47 : memref<64x128xf32, #tpu.memory_space<vmem_shared>>)
        tpu.yield
      }) : () -> ()
    }
    %scan3A_9 = arith.constant 10 : i32
    %barrier3A = arith.constant 0 : index
    tpu.barrier barrier_id(%barrier3A)
    %mul3A_10 = arith.constant 10000 : i32
    %mul3A_11 = arith.muli %add3A, %mul3A_10 : i32
    %scan3A_12 = arith.constant 0 : i32
    %scan3A_13 = arith.constant 6 : i32
    %scan3A_14 = arith.addi %scan3A_12, %scan3A_13 : i32
    %scan3A_15 = arith.constant 1 : i32
    scf.for %scan3A_30 = %scan3A_12 to %scan3A_14 step %scan3A_15  : i32 {
      %mul3A_31 = arith.constant 1 : i32
      %mul3A_32 = arith.muli %scan3A_30, %mul3A_31 : i32
      %add3A_33 = arith.constant 0 : i32
      %add3A_34 = arith.addi %add3A_33, %mul3A_32 : i32
      %mul3A_35 = arith.constant 1664 : i32
      %mul3A_36 = arith.muli %add3A_34, %mul3A_35 : i32
      %add3A_37 = arith.addi %mul3A_11, %mul3A_36 : i32
      "tpu.region"() ({
        %run_scoped3A = tpu.sem_alloc : memref<!tpu.dma_semaphore, #tpu.memory_space<semaphore_mem>>
        %dma_start3A_56 = tpu.memref_slice %arg3[%add3A_37] : memref<640000xi32, #tpu.memory_space<hbm>> -> memref<1664xi32, #tpu.memory_space<hbm>>
        %dma_start3A_57 = tpu.memref_slice %arg3[%add3A_37] : memref<640000xi32, #tpu.memory_space<hbm>> -> memref<1664xi32, #tpu.memory_space<hbm>>
        tpu.enqueue_dma source(%dma_start3A_57 : memref<1664xi32, #tpu.memory_space<hbm>>) target(%arg6 : memref<1664xi32, #tpu.memory_space<vmem>>) target_semaphore(%run_scoped3A : memref<!tpu.dma_semaphore, #tpu.memory_space<semaphore_mem>>)
        %dma_wait3A_58 = tpu.memref_slice %arg3[%add3A_37] : memref<640000xi32, #tpu.memory_space<hbm>> -> memref<1664xi32, #tpu.memory_space<hbm>>
        %dma_wait3A_59 = tpu.memref_slice %arg3[%add3A_37] : memref<640000xi32, #tpu.memory_space<hbm>> -> memref<1664xi32, #tpu.memory_space<hbm>>
        tpu.wait_dma2 semaphore(%run_scoped3A : memref<!tpu.dma_semaphore, #tpu.memory_space<semaphore_mem>>) src(%dma_wait3A_59 : memref<1664xi32, #tpu.memory_space<hbm>>) dst(%arg6 : memref<1664xi32, #tpu.memory_space<vmem>>)
        tpu.yield
      }) : () -> ()
      %add3A_38 = arith.constant 320000 : i32
      %add3A_39 = arith.addi %add3A_38, %add3A_37 : i32
      "tpu.region"() ({
        %run_scoped3A = tpu.sem_alloc : memref<!tpu.dma_semaphore, #tpu.memory_space<semaphore_mem>>
        %dma_start3A_56 = tpu.memref_slice %arg3[%add3A_39] : memref<640000xi32, #tpu.memory_space<hbm>> -> memref<1664xi32, #tpu.memory_space<hbm>>
        %dma_start3A_57 = tpu.memref_slice %arg3[%add3A_39] : memref<640000xi32, #tpu.memory_space<hbm>> -> memref<1664xi32, #tpu.memory_space<hbm>>
        tpu.enqueue_dma source(%dma_start3A_57 : memref<1664xi32, #tpu.memory_space<hbm>>) target(%arg7 : memref<1664xi32, #tpu.memory_space<vmem>>) target_semaphore(%run_scoped3A : memref<!tpu.dma_semaphore, #tpu.memory_space<semaphore_mem>>)
        %dma_wait3A_58 = tpu.memref_slice %arg3[%add3A_39] : memref<640000xi32, #tpu.memory_space<hbm>> -> memref<1664xi32, #tpu.memory_space<hbm>>
        %dma_wait3A_59 = tpu.memref_slice %arg3[%add3A_39] : memref<640000xi32, #tpu.memory_space<hbm>> -> memref<1664xi32, #tpu.memory_space<hbm>>
        tpu.wait_dma2 semaphore(%run_scoped3A : memref<!tpu.dma_semaphore, #tpu.memory_space<semaphore_mem>>) src(%dma_wait3A_59 : memref<1664xi32, #tpu.memory_space<hbm>>) dst(%arg7 : memref<1664xi32, #tpu.memory_space<vmem>>)
        tpu.yield
      }) : () -> ()
      %scan3A_40 = arith.constant 0 : i32
      %scan3A_41 = arith.constant 8 : i32
      %scan3A_42 = arith.addi %scan3A_40, %scan3A_41 : i32
      %scan3A_43 = arith.constant 1 : i32
      scf.for %scan3A_56 = %scan3A_40 to %scan3A_42 step %scan3A_43  : i32 {
        %mul3A_57 = arith.constant 1 : i32
        %mul3A_58 = arith.muli %scan3A_56, %mul3A_57 : i32
        %add3A_59 = arith.constant 0 : i32
        %add3A_60 = arith.addi %add3A_59, %mul3A_58 : i32
        %mul3A_61 = arith.constant 16 : i32
        %mul3A_62 = arith.muli %add3A_60, %mul3A_61 : i32
        %add3A_63 = arith.constant 0 : i32
        %add3A_64 = arith.addi %add3A_63, %mul3A_62 : i32
        %get3A = arith.index_cast %add3A_64 : i32 to index
        %get3A_65 = tpu.vector_load %arg6[%get3A] {strides = array<i32>} : memref<1664xi32, #tpu.memory_space<vmem>>, vector<16xi32>,
        %get3A_66 = vector.shape_cast %get3A_65 : vector<16xi32> to vector<16xi32>
        %mul3A_67 = arith.constant 16 : i32
        %mul3A_68 = arith.muli %add3A_60, %mul3A_67 : i32
        %swap3A = arith.index_cast %mul3A_68 : i32 to index
        %swap3A_69 = tpu.vector_load %arg8[%swap3A] {strides = array<i32>} : memref<128xi32, #tpu.memory_space<vmem>>, vector<16xi32>,
        %swap3A_70 = vector.shape_cast %swap3A_69 : vector<16xi32> to vector<16xi32>
        %swap3A_71 = vector.shape_cast %get3A_66 : vector<16xi32> to vector<16xi32>
        tpu.vector_store %arg8[%swap3A], %swap3A_71 {strides = array<i32>} : memref<128xi32, #tpu.memory_space<vmem>>, vector<16xi32>,
        %mul3A_72 = arith.constant 16 : i32
        %mul3A_73 = arith.muli %add3A_60, %mul3A_72 : i32
        %add3A_74 = arith.constant 0 : i32
        %add3A_75 = arith.addi %add3A_74, %mul3A_73 : i32
        %get3A_76 = arith.index_cast %add3A_75 : i32 to index
        %get3A_77 = tpu.vector_load %arg7[%get3A_76] {strides = array<i32>} : memref<1664xi32, #tpu.memory_space<vmem>>, vector<16xi32>,
        %get3A_78 = vector.shape_cast %get3A_77 : vector<16xi32> to vector<16xi32>
        %mul3A_79 = arith.constant 16 : i32
        %mul3A_80 = arith.muli %add3A_60, %mul3A_79 : i32
        %swap3A_81 = arith.index_cast %mul3A_80 : i32 to index
        %swap3A_82 = tpu.vector_load %arg9[%swap3A_81] {strides = array<i32>} : memref<128xi32, #tpu.memory_space<vmem>>, vector<16xi32>,
        %swap3A_83 = vector.shape_cast %swap3A_82 : vector<16xi32> to vector<16xi32>
        %swap3A_84 = vector.shape_cast %get3A_78 : vector<16xi32> to vector<16xi32>
        tpu.vector_store %arg9[%swap3A_81], %swap3A_84 {strides = array<i32>} : memref<128xi32, #tpu.memory_space<vmem>>, vector<16xi32>,
      }
      %scan3A_44 = arith.constant 8 : i32
      %dma_start3A_45 = arith.constant 0 : i32
      %dma_start3A_46 = arith.constant 0 : i32
      %dma_start3A_47 = tpu.memref_slice %arg2[%dma_start3A_45, %dma_start3A_46] : memref<10000x128xf32, #tpu.memory_space<hbm>> -> memref<10000x128xf32, #tpu.memory_space<hbm>>
      tpu.enqueue_indirect_dma source(%dma_start3A_47 : memref<10000x128xf32, #tpu.memory_space<hbm>>) target(%arg14 : memref<128x128xf32, #tpu.memory_space<vmem>>) offsets(%arg8 : memref<128xi32, #tpu.memory_space<vmem>>) semaphore(%arg18 : memref<!tpu.dma_semaphore, #tpu.memory_space<semaphore_mem>>)
      %scan3A_48 = arith.constant 0 : i32
      %scan3A_49 = arith.constant 6 : i32
      %scan3A_50 = arith.addi %scan3A_48, %scan3A_49 : i32
      %scan3A_51 = arith.constant 1 : i32
      scf.for %scan3A_56 = %scan3A_48 to %scan3A_50 step %scan3A_51  : i32 {
        %mul3A_57 = arith.constant 1 : i32
        %mul3A_58 = arith.muli %scan3A_56, %mul3A_57 : i32
        %add3A_59 = arith.constant 0 : i32
        %add3A_60 = arith.addi %add3A_59, %mul3A_58 : i32
        %mul3A_61 = arith.constant 2 : i32
        %mul3A_62 = arith.muli %mul3A_61, %add3A_60 : i32
        %add3A_63 = arith.constant 1 : i32
        %add3A_64 = arith.addi %mul3A_62, %add3A_63 : i32
        %scan3A_65 = arith.constant 0 : i32
        %scan3A_66 = arith.constant 8 : i32
        %scan3A_67 = arith.addi %scan3A_65, %scan3A_66 : i32
        %scan3A_68 = arith.constant 1 : i32
        scf.for %scan3A_91 = %scan3A_65 to %scan3A_67 step %scan3A_68  : i32 {
          %mul3A_92 = arith.constant 1 : i32
          %mul3A_93 = arith.muli %scan3A_91, %mul3A_92 : i32
          %add3A_94 = arith.constant 0 : i32
          %add3A_95 = arith.addi %add3A_94, %mul3A_93 : i32
          %mul3A_96 = arith.constant 128 : i32
          %mul3A_97 = arith.muli %add3A_64, %mul3A_96 : i32
          %mul3A_98 = arith.constant 16 : i32
          %mul3A_99 = arith.muli %add3A_95, %mul3A_98 : i32
          %add3A_100 = arith.addi %mul3A_97, %mul3A_99 : i32
          %get3A = arith.index_cast %add3A_100 : i32 to index
          %get3A_101 = tpu.vector_load %arg6[%get3A] {strides = array<i32>} : memref<1664xi32, #tpu.memory_space<vmem>>, vector<16xi32>,
          %get3A_102 = vector.shape_cast %get3A_101 : vector<16xi32> to vector<16xi32>
          %mul3A_103 = arith.constant 16 : i32
          %mul3A_104 = arith.muli %add3A_95, %mul3A_103 : i32
          %swap3A = arith.index_cast %mul3A_104 : i32 to index
          %swap3A_105 = tpu.vector_load %arg10[%swap3A] {strides = array<i32>} : memref<128xi32, #tpu.memory_space<vmem>>, vector<16xi32>,
          %swap3A_106 = vector.shape_cast %swap3A_105 : vector<16xi32> to vector<16xi32>
          %swap3A_107 = vector.shape_cast %get3A_102 : vector<16xi32> to vector<16xi32>
          tpu.vector_store %arg10[%swap3A], %swap3A_107 {strides = array<i32>} : memref<128xi32, #tpu.memory_space<vmem>>, vector<16xi32>,
          %mul3A_108 = arith.constant 128 : i32
          %mul3A_109 = arith.muli %add3A_64, %mul3A_108 : i32
          %mul3A_110 = arith.constant 16 : i32
          %mul3A_111 = arith.muli %add3A_95, %mul3A_110 : i32
          %add3A_112 = arith.addi %mul3A_109, %mul3A_111 : i32
          %get3A_113 = arith.index_cast %add3A_112 : i32 to index
          %get3A_114 = tpu.vector_load %arg7[%get3A_113] {strides = array<i32>} : memref<1664xi32, #tpu.memory_space<vmem>>, vector<16xi32>,
          %get3A_115 = vector.shape_cast %get3A_114 : vector<16xi32> to vector<16xi32>
          %mul3A_116 = arith.constant 16 : i32
          %mul3A_117 = arith.muli %add3A_95, %mul3A_116 : i32
          %swap3A_118 = arith.index_cast %mul3A_117 : i32 to index
          %swap3A_119 = tpu.vector_load %arg11[%swap3A_118] {strides = array<i32>} : memref<128xi32, #tpu.memory_space<vmem>>, vector<16xi32>,
          %swap3A_120 = vector.shape_cast %swap3A_119 : vector<16xi32> to vector<16xi32>
          %swap3A_121 = vector.shape_cast %get3A_115 : vector<16xi32> to vector<16xi32>
          tpu.vector_store %arg11[%swap3A_118], %swap3A_121 {strides = array<i32>} : memref<128xi32, #tpu.memory_space<vmem>>, vector<16xi32>,
        }
        %scan3A_69 = arith.constant 8 : i32
        %dma_start3A_70 = arith.constant 0 : i32
        %dma_start3A_71 = arith.constant 0 : i32
        %dma_start3A_72 = tpu.memref_slice %arg2[%dma_start3A_70, %dma_start3A_71] : memref<10000x128xf32, #tpu.memory_space<hbm>> -> memref<10000x128xf32, #tpu.memory_space<hbm>>
        tpu.enqueue_indirect_dma source(%dma_start3A_72 : memref<10000x128xf32, #tpu.memory_space<hbm>>) target(%arg15 : memref<128x128xf32, #tpu.memory_space<vmem>>) offsets(%arg10 : memref<128xi32, #tpu.memory_space<vmem>>) semaphore(%arg19 : memref<!tpu.dma_semaphore, #tpu.memory_space<semaphore_mem>>)
        %dma_wait3A_73 = arith.constant 0 : i32
        %dma_wait3A_74 = arith.constant 0 : i32
        %dma_wait3A_75 = tpu.memref_slice %arg2[%dma_wait3A_73, %dma_wait3A_74] : memref<10000x128xf32, #tpu.memory_space<hbm>> -> memref<10000x128xf32, #tpu.memory_space<hbm>>
        tpu.wait_indirect_dma semaphore(%arg18 : memref<!tpu.dma_semaphore, #tpu.memory_space<semaphore_mem>>) src(%dma_wait3A_75 : memref<10000x128xf32, #tpu.memory_space<hbm>>) dst(%arg14 : memref<128x128xf32, #tpu.memory_space<vmem>>)
        "tpu.region"() ({
          %run_scoped3A = tpu.sem_alloc : memref<!tpu.dma_semaphore, #tpu.memory_space<semaphore_mem>>
          %dma_start3A_91 = arith.constant 0 : i32
          %dma_start3A_92 = arith.constant 0 : i32
          %dma_start3A_93 = tpu.memref_slice %arg5[%dma_start3A_91, %dma_start3A_92] : memref<10240x128xf32, #tpu.memory_space<vmem_shared>> -> memref<10240x128xf32, #tpu.memory_space<vmem_shared>>
          tpu.enqueue_indirect_dma source(%arg14 : memref<128x128xf32, #tpu.memory_space<vmem>>) target(%dma_start3A_93 : memref<10240x128xf32, #tpu.memory_space<vmem_shared>>) offsets(%arg9 : memref<128xi32, #tpu.memory_space<vmem>>) semaphore(%run_scoped3A : memref<!tpu.dma_semaphore, #tpu.memory_space<semaphore_mem>>) {add = true}
          %dma_wait3A_94 = arith.constant 0 : i32
          %dma_wait3A_95 = arith.constant 0 : i32
          %dma_wait3A_96 = tpu.memref_slice %arg5[%dma_wait3A_94, %dma_wait3A_95] : memref<10240x128xf32, #tpu.memory_space<vmem_shared>> -> memref<10240x128xf32, #tpu.memory_space<vmem_shared>>
          tpu.wait_indirect_dma semaphore(%run_scoped3A : memref<!tpu.dma_semaphore, #tpu.memory_space<semaphore_mem>>) src(%arg14 : memref<128x128xf32, #tpu.memory_space<vmem>>) dst(%dma_wait3A_96 : memref<10240x128xf32, #tpu.memory_space<vmem_shared>>)
          tpu.yield
        }) : () -> ()
        %mul3A_76 = arith.constant 2 : i32
        %mul3A_77 = arith.muli %mul3A_76, %add3A_60 : i32
        %add3A_78 = arith.constant 2 : i32
        %add3A_79 = arith.addi %mul3A_77, %add3A_78 : i32
        %scan3A_80 = arith.constant 0 : i32
        %scan3A_81 = arith.constant 8 : i32
        %scan3A_82 = arith.addi %scan3A_80, %scan3A_81 : i32
        %scan3A_83 = arith.constant 1 : i32
        scf.for %scan3A_91 = %scan3A_80 to %scan3A_82 step %scan3A_83  : i32 {
          %mul3A_92 = arith.constant 1 : i32
          %mul3A_93 = arith.muli %scan3A_91, %mul3A_92 : i32
          %add3A_94 = arith.constant 0 : i32
          %add3A_95 = arith.addi %add3A_94, %mul3A_93 : i32
          %mul3A_96 = arith.constant 128 : i32
          %mul3A_97 = arith.muli %add3A_79, %mul3A_96 : i32
          %mul3A_98 = arith.constant 16 : i32
          %mul3A_99 = arith.muli %add3A_95, %mul3A_98 : i32
          %add3A_100 = arith.addi %mul3A_97, %mul3A_99 : i32
          %get3A = arith.index_cast %add3A_100 : i32 to index
          %get3A_101 = tpu.vector_load %arg6[%get3A] {strides = array<i32>} : memref<1664xi32, #tpu.memory_space<vmem>>, vector<16xi32>,
          %get3A_102 = vector.shape_cast %get3A_101 : vector<16xi32> to vector<16xi32>
          %mul3A_103 = arith.constant 16 : i32
          %mul3A_104 = arith.muli %add3A_95, %mul3A_103 : i32
          %swap3A = arith.index_cast %mul3A_104 : i32 to index
          %swap3A_105 = tpu.vector_load %arg8[%swap3A] {strides = array<i32>} : memref<128xi32, #tpu.memory_space<vmem>>, vector<16xi32>,
          %swap3A_106 = vector.shape_cast %swap3A_105 : vector<16xi32> to vector<16xi32>
          %swap3A_107 = vector.shape_cast %get3A_102 : vector<16xi32> to vector<16xi32>
          tpu.vector_store %arg8[%swap3A], %swap3A_107 {strides = array<i32>} : memref<128xi32, #tpu.memory_space<vmem>>, vector<16xi32>,
          %mul3A_108 = arith.constant 128 : i32
          %mul3A_109 = arith.muli %add3A_79, %mul3A_108 : i32
          %mul3A_110 = arith.constant 16 : i32
          %mul3A_111 = arith.muli %add3A_95, %mul3A_110 : i32
          %add3A_112 = arith.addi %mul3A_109, %mul3A_111 : i32
          %get3A_113 = arith.index_cast %add3A_112 : i32 to index
          %get3A_114 = tpu.vector_load %arg7[%get3A_113] {strides = array<i32>} : memref<1664xi32, #tpu.memory_space<vmem>>, vector<16xi32>,
          %get3A_115 = vector.shape_cast %get3A_114 : vector<16xi32> to vector<16xi32>
          %mul3A_116 = arith.constant 16 : i32
          %mul3A_117 = arith.muli %add3A_95, %mul3A_116 : i32
          %swap3A_118 = arith.index_cast %mul3A_117 : i32 to index
          %swap3A_119 = tpu.vector_load %arg9[%swap3A_118] {strides = array<i32>} : memref<128xi32, #tpu.memory_space<vmem>>, vector<16xi32>,
          %swap3A_120 = vector.shape_cast %swap3A_119 : vector<16xi32> to vector<16xi32>
          %swap3A_121 = vector.shape_cast %get3A_115 : vector<16xi32> to vector<16xi32>
          tpu.vector_store %arg9[%swap3A_118], %swap3A_121 {strides = array<i32>} : memref<128xi32, #tpu.memory_space<vmem>>, vector<16xi32>,
        }
        %scan3A_84 = arith.constant 8 : i32
        %dma_start3A_85 = arith.constant 0 : i32
        %dma_start3A_86 = arith.constant 0 : i32
        %dma_start3A_87 = tpu.memref_slice %arg2[%dma_start3A_85, %dma_start3A_86] : memref<10000x128xf32, #tpu.memory_space<hbm>> -> memref<10000x128xf32, #tpu.memory_space<hbm>>
        tpu.enqueue_indirect_dma source(%dma_start3A_87 : memref<10000x128xf32, #tpu.memory_space<hbm>>) target(%arg14 : memref<128x128xf32, #tpu.memory_space<vmem>>) offsets(%arg8 : memref<128xi32, #tpu.memory_space<vmem>>) semaphore(%arg18 : memref<!tpu.dma_semaphore, #tpu.memory_space<semaphore_mem>>)
        %dma_wait3A_88 = arith.constant 0 : i32
        %dma_wait3A_89 = arith.constant 0 : i32
        %dma_wait3A_90 = tpu.memref_slice %arg2[%dma_wait3A_88, %dma_wait3A_89] : memref<10000x128xf32, #tpu.memory_space<hbm>> -> memref<10000x128xf32, #tpu.memory_space<hbm>>
        tpu.wait_indirect_dma semaphore(%arg19 : memref<!tpu.dma_semaphore, #tpu.memory_space<semaphore_mem>>) src(%dma_wait3A_90 : memref<10000x128xf32, #tpu.memory_space<hbm>>) dst(%arg15 : memref<128x128xf32, #tpu.memory_space<vmem>>)
        "tpu.region"() ({
          %run_scoped3A = tpu.sem_alloc : memref<!tpu.dma_semaphore, #tpu.memory_space<semaphore_mem>>
          %dma_start3A_91 = arith.constant 0 : i32
          %dma_start3A_92 = arith.constant 0 : i32
          %dma_start3A_93 = tpu.memref_slice %arg5[%dma_start3A_91, %dma_start3A_92] : memref<10240x128xf32, #tpu.memory_space<vmem_shared>> -> memref<10240x128xf32, #tpu.memory_space<vmem_shared>>
          tpu.enqueue_indirect_dma source(%arg15 : memref<128x128xf32, #tpu.memory_space<vmem>>) target(%dma_start3A_93 : memref<10240x128xf32, #tpu.memory_space<vmem_shared>>) offsets(%arg11 : memref<128xi32, #tpu.memory_space<vmem>>) semaphore(%run_scoped3A : memref<!tpu.dma_semaphore, #tpu.memory_space<semaphore_mem>>) {add = true}
          %dma_wait3A_94 = arith.constant 0 : i32
          %dma_wait3A_95 = arith.constant 0 : i32
          %dma_wait3A_96 = tpu.memref_slice %arg5[%dma_wait3A_94, %dma_wait3A_95] : memref<10240x128xf32, #tpu.memory_space<vmem_shared>> -> memref<10240x128xf32, #tpu.memory_space<vmem_shared>>
          tpu.wait_indirect_dma semaphore(%run_scoped3A : memref<!tpu.dma_semaphore, #tpu.memory_space<semaphore_mem>>) src(%arg15 : memref<128x128xf32, #tpu.memory_space<vmem>>) dst(%dma_wait3A_96 : memref<10240x128xf32, #tpu.memory_space<vmem_shared>>)
          tpu.yield
        }) : () -> ()
      }
      %scan3A_52 = arith.constant 6 : i32
      %dma_wait3A_53 = arith.constant 0 : i32
      %dma_wait3A_54 = arith.constant 0 : i32
      %dma_wait3A_55 = tpu.memref_slice %arg2[%dma_wait3A_53, %dma_wait3A_54] : memref<10000x128xf32, #tpu.memory_space<hbm>> -> memref<10000x128xf32, #tpu.memory_space<hbm>>
      tpu.wait_indirect_dma semaphore(%arg18 : memref<!tpu.dma_semaphore, #tpu.memory_space<semaphore_mem>>) src(%dma_wait3A_55 : memref<10000x128xf32, #tpu.memory_space<hbm>>) dst(%arg14 : memref<128x128xf32, #tpu.memory_space<vmem>>)
      "tpu.region"() ({
        %run_scoped3A = tpu.sem_alloc : memref<!tpu.dma_semaphore, #tpu.memory_space<semaphore_mem>>
        %dma_start3A_56 = arith.constant 0 : i32
        %dma_start3A_57 = arith.constant 0 : i32
        %dma_start3A_58 = tpu.memref_slice %arg5[%dma_start3A_56, %dma_start3A_57] : memref<10240x128xf32, #tpu.memory_space<vmem_shared>> -> memref<10240x128xf32, #tpu.memory_space<vmem_shared>>
        tpu.enqueue_indirect_dma source(%arg14 : memref<128x128xf32, #tpu.memory_space<vmem>>) target(%dma_start3A_58 : memref<10240x128xf32, #tpu.memory_space<vmem_shared>>) offsets(%arg9 : memref<128xi32, #tpu.memory_space<vmem>>) semaphore(%run_scoped3A : memref<!tpu.dma_semaphore, #tpu.memory_space<semaphore_mem>>) {add = true}
        %dma_wait3A_59 = arith.constant 0 : i32
        %dma_wait3A_60 = arith.constant 0 : i32
        %dma_wait3A_61 = tpu.memref_slice %arg5[%dma_wait3A_59, %dma_wait3A_60] : memref<10240x128xf32, #tpu.memory_space<vmem_shared>> -> memref<10240x128xf32, #tpu.memory_space<vmem_shared>>
        tpu.wait_indirect_dma semaphore(%run_scoped3A : memref<!tpu.dma_semaphore, #tpu.memory_space<semaphore_mem>>) src(%arg14 : memref<128x128xf32, #tpu.memory_space<vmem>>) dst(%dma_wait3A_61 : memref<10240x128xf32, #tpu.memory_space<vmem_shared>>)
        tpu.yield
      }) : () -> ()
    }
    %scan3A_16 = arith.constant 6 : i32
    %add3A_17 = arith.constant 9984 : i32
    %add3A_18 = arith.addi %mul3A_11, %add3A_17 : i32
    "tpu.region"() ({
      %run_scoped3A = tpu.sem_alloc : memref<!tpu.dma_semaphore, #tpu.memory_space<semaphore_mem>>
      %dma_start3A_30 = tpu.memref_slice %arg3[%add3A_18] : memref<640000xi32, #tpu.memory_space<hbm>> -> memref<16xi32, #tpu.memory_space<hbm>>
      %dma_start3A_31 = tpu.memref_slice %arg3[%add3A_18] : memref<640000xi32, #tpu.memory_space<hbm>> -> memref<16xi32, #tpu.memory_space<hbm>>
      tpu.enqueue_dma source(%dma_start3A_31 : memref<16xi32, #tpu.memory_space<hbm>>) target(%arg12 : memref<16xi32, #tpu.memory_space<vmem>>) target_semaphore(%run_scoped3A : memref<!tpu.dma_semaphore, #tpu.memory_space<semaphore_mem>>)
      %dma_wait3A_32 = tpu.memref_slice %arg3[%add3A_18] : memref<640000xi32, #tpu.memory_space<hbm>> -> memref<16xi32, #tpu.memory_space<hbm>>
      %dma_wait3A_33 = tpu.memref_slice %arg3[%add3A_18] : memref<640000xi32, #tpu.memory_space<hbm>> -> memref<16xi32, #tpu.memory_space<hbm>>
      tpu.wait_dma2 semaphore(%run_scoped3A : memref<!tpu.dma_semaphore, #tpu.memory_space<semaphore_mem>>) src(%dma_wait3A_33 : memref<16xi32, #tpu.memory_space<hbm>>) dst(%arg12 : memref<16xi32, #tpu.memory_space<vmem>>)
      tpu.yield
    }) : () -> ()
    %add3A_19 = arith.constant 320000 : i32
    %add3A_20 = arith.addi %add3A_19, %add3A_18 : i32
    "tpu.region"() ({
      %run_scoped3A = tpu.sem_alloc : memref<!tpu.dma_semaphore, #tpu.memory_space<semaphore_mem>>
      %dma_start3A_30 = tpu.memref_slice %arg3[%add3A_20] : memref<640000xi32, #tpu.memory_space<hbm>> -> memref<16xi32, #tpu.memory_space<hbm>>
      %dma_start3A_31 = tpu.memref_slice %arg3[%add3A_20] : memref<640000xi32, #tpu.memory_space<hbm>> -> memref<16xi32, #tpu.memory_space<hbm>>
      tpu.enqueue_dma source(%dma_start3A_31 : memref<16xi32, #tpu.memory_space<hbm>>) target(%arg13 : memref<16xi32, #tpu.memory_space<vmem>>) target_semaphore(%run_scoped3A : memref<!tpu.dma_semaphore, #tpu.memory_space<semaphore_mem>>)
      %dma_wait3A_32 = tpu.memref_slice %arg3[%add3A_20] : memref<640000xi32, #tpu.memory_space<hbm>> -> memref<16xi32, #tpu.memory_space<hbm>>
      %dma_wait3A_33 = tpu.memref_slice %arg3[%add3A_20] : memref<640000xi32, #tpu.memory_space<hbm>> -> memref<16xi32, #tpu.memory_space<hbm>>
      tpu.wait_dma2 semaphore(%run_scoped3A : memref<!tpu.dma_semaphore, #tpu.memory_space<semaphore_mem>>) src(%dma_wait3A_33 : memref<16xi32, #tpu.memory_space<hbm>>) dst(%arg13 : memref<16xi32, #tpu.memory_space<vmem>>)
      tpu.yield
    }) : () -> ()
    %dma_start3A = arith.constant 0 : i32
    %dma_start3A_21 = arith.constant 0 : i32
    %dma_start3A_22 = tpu.memref_slice %arg2[%dma_start3A, %dma_start3A_21] : memref<10000x128xf32, #tpu.memory_space<hbm>> -> memref<10000x128xf32, #tpu.memory_space<hbm>>
    tpu.enqueue_indirect_dma source(%dma_start3A_22 : memref<10000x128xf32, #tpu.memory_space<hbm>>) target(%arg16 : memref<16x128xf32, #tpu.memory_space<vmem>>) offsets(%arg12 : memref<16xi32, #tpu.memory_space<vmem>>) semaphore(%arg18 : memref<!tpu.dma_semaphore, #tpu.memory_space<semaphore_mem>>)
    %dma_wait3A = arith.constant 0 : i32
    %dma_wait3A_23 = arith.constant 0 : i32
    %dma_wait3A_24 = tpu.memref_slice %arg2[%dma_wait3A, %dma_wait3A_23] : memref<10000x128xf32, #tpu.memory_space<hbm>> -> memref<10000x128xf32, #tpu.memory_space<hbm>>
    tpu.wait_indirect_dma semaphore(%arg18 : memref<!tpu.dma_semaphore, #tpu.memory_space<semaphore_mem>>) src(%dma_wait3A_24 : memref<10000x128xf32, #tpu.memory_space<hbm>>) dst(%arg16 : memref<16x128xf32, #tpu.memory_space<vmem>>)
    "tpu.region"() ({
      %run_scoped3A = tpu.sem_alloc : memref<!tpu.dma_semaphore, #tpu.memory_space<semaphore_mem>>
      %dma_start3A_30 = arith.constant 0 : i32
      %dma_start3A_31 = arith.constant 0 : i32
      %dma_start3A_32 = tpu.memref_slice %arg5[%dma_start3A_30, %dma_start3A_31] : memref<10240x128xf32, #tpu.memory_space<vmem_shared>> -> memref<10240x128xf32, #tpu.memory_space<vmem_shared>>
      tpu.enqueue_indirect_dma source(%arg16 : memref<16x128xf32, #tpu.memory_space<vmem>>) target(%dma_start3A_32 : memref<10240x128xf32, #tpu.memory_space<vmem_shared>>) offsets(%arg13 : memref<16xi32, #tpu.memory_space<vmem>>) semaphore(%run_scoped3A : memref<!tpu.dma_semaphore, #tpu.memory_space<semaphore_mem>>) {add = true}
      %dma_wait3A_33 = arith.constant 0 : i32
      %dma_wait3A_34 = arith.constant 0 : i32
      %dma_wait3A_35 = tpu.memref_slice %arg5[%dma_wait3A_33, %dma_wait3A_34] : memref<10240x128xf32, #tpu.memory_space<vmem_shared>> -> memref<10240x128xf32, #tpu.memory_space<vmem_shared>>
      tpu.wait_indirect_dma semaphore(%run_scoped3A : memref<!tpu.dma_semaphore, #tpu.memory_space<semaphore_mem>>) src(%arg16 : memref<16x128xf32, #tpu.memory_space<vmem>>) dst(%dma_wait3A_35 : memref<10240x128xf32, #tpu.memory_space<vmem_shared>>)
      tpu.yield
    }) : () -> ()
    %barrier3A_25 = arith.constant 0 : index
    tpu.barrier barrier_id(%barrier3A_25)
    %mul3A_26 = arith.constant 640 : i32
    %mul3A_27 = arith.muli %arg1, %mul3A_26 : i32
    %mul3A_28 = arith.constant 640 : i32
    %mul3A_29 = arith.muli %arg1, %mul3A_28 : i32
    "tpu.region"() ({
      %run_scoped3A = tpu.sem_alloc : memref<!tpu.dma_semaphore, #tpu.memory_space<semaphore_mem>>
      %dma_start3A_30 = arith.constant 0 : i32
      %dma_start3A_31 = tpu.memref_slice %arg4[%arg0, %mul3A_29, %dma_start3A_30] : memref<2x10240x128xf32, #tpu.memory_space<hbm>> -> memref<1x640x128xf32, #tpu.memory_space<hbm>>
      %dma_start3A_32 = tpu.memref_squeeze %dma_start3A_31 : memref<1x640x128xf32, #tpu.memory_space<hbm>> -> memref<640x128xf32, #tpu.memory_space<hbm>>
      %dma_start3A_33 = arith.constant 0 : i32
      %dma_start3A_34 = tpu.memref_slice %arg5[%mul3A_27, %dma_start3A_33] : memref<10240x128xf32, #tpu.memory_space<vmem_shared>> -> memref<640x128xf32, #tpu.memory_space<vmem_shared>>
      tpu.enqueue_dma source(%dma_start3A_34 : memref<640x128xf32, #tpu.memory_space<vmem_shared>>) target(%dma_start3A_32 : memref<640x128xf32, #tpu.memory_space<hbm>>) target_semaphore(%run_scoped3A : memref<!tpu.dma_semaphore, #tpu.memory_space<semaphore_mem>>)
      %dma_wait3A_35 = arith.constant 0 : i32
      %dma_wait3A_36 = tpu.memref_slice %arg4[%arg0, %mul3A_29, %dma_wait3A_35] : memref<2x10240x128xf32, #tpu.memory_space<hbm>> -> memref<1x640x128xf32, #tpu.memory_space<hbm>>
      %dma_wait3A_37 = tpu.memref_squeeze %dma_wait3A_36 : memref<1x640x128xf32, #tpu.memory_space<hbm>> -> memref<640x128xf32, #tpu.memory_space<hbm>>
      %dma_wait3A_38 = arith.constant 0 : i32
      %dma_wait3A_39 = tpu.memref_slice %arg5[%mul3A_27, %dma_wait3A_38] : memref<10240x128xf32, #tpu.memory_space<vmem_shared>> -> memref<640x128xf32, #tpu.memory_space<vmem_shared>>
      tpu.wait_dma2 semaphore(%run_scoped3A : memref<!tpu.dma_semaphore, #tpu.memory_space<semaphore_mem>>) src(%dma_wait3A_39 : memref<640x128xf32, #tpu.memory_space<vmem_shared>>) dst(%dma_wait3A_37 : memref<640x128xf32, #tpu.memory_space<hbm>>)
      tpu.yield
    }) : () -> ()
    return
  }
}

module attributes {stable_mosaic.version = 14 : i64} {
  func.func @_fs_body(%arg0: memref<10000x128xf32, #tpu.memory_space<vmem>>, %arg1: memref<10000x1xf32, #tpu.memory_space<vmem>>, %arg2: memref<10000x128xf32, #tpu.memory_space<vmem>>) attributes {dimension_semantics = [], scalar_prefetch = 0 : i64, scratch_operands = 0 : i64, tpu.core_type = #tpu.core_type<tc>} {
    %get3A = arith.constant 0 : index
    %get3A_0 = arith.constant 0 : index
    %get3A_1 = vector.load %arg1[%get3A, %get3A_0] : memref<10000x1xf32, #tpu.memory_space<vmem>>, vector<10000x1xf32>
    %max3A = arith.constant 1.000000e+00 : f32
    %max3A_2 = vector.broadcast %max3A : f32 to vector<10000x1xf32>
    %max3A_3 = arith.maximumf %get3A_1, %max3A_2 : vector<10000x1xf32>
    %rsqrt3A = math.rsqrt %max3A_3 : vector<10000x1xf32>
    %get3A_4 = arith.constant 0 : index
    %get3A_5 = arith.constant 0 : index
    %get3A_6 = vector.load %arg0[%get3A_4, %get3A_5] : memref<10000x128xf32, #tpu.memory_space<vmem>>, vector<10000x128xf32>
    %mul3A = vector.broadcast %rsqrt3A : vector<10000x1xf32> to vector<10000x128xf32>
    %mul3A_7 = arith.mulf %get3A_6, %mul3A : vector<10000x128xf32>
    %swap3A = arith.constant 0 : index
    %swap3A_8 = arith.constant 0 : index
    %swap3A_9 = vector.load %arg2[%swap3A, %swap3A_8] : memref<10000x128xf32, #tpu.memory_space<vmem>>, vector<10000x128xf32>
    tpu.vector_store %arg2[%swap3A, %swap3A_8], %mul3A_7 {strides = array<i32>} : memref<10000x128xf32, #tpu.memory_space<vmem>>, vector<10000x128xf32>,
    return
  }
}

module attributes {stable_mosaic.version = 14 : i64} {
  func.func @_fin_body(%arg0: i32, %arg1: memref<2x1000x128xf32, #tpu.memory_space<vmem>>, %arg2: memref<1000x1xf32, #tpu.memory_space<vmem>>, %arg3: memref<1000x128xf32, #tpu.memory_space<vmem>>, %arg4: memref<128x128xf32, #tpu.memory_space<vmem>>, %arg5: memref<1x1xf32, #tpu.memory_space<vmem>>, %arg6: memref<1000x128xf32, #tpu.memory_space<vmem>>, %arg7: memref<1000x1xf32, #tpu.memory_space<vmem>>, %arg8: memref<1000x1xf32, #tpu.memory_space<vmem>>) attributes {dimension_semantics = [#tpu.dimension_semantics<arbitrary>], iteration_bounds = array<i64: 10>, scalar_prefetch = 0 : i64, scratch_operands = 0 : i64, tpu.core_type = #tpu.core_type<tc>, window_params = [{transform_indices = @transform_0, window_bounds = array<i64: 2, 1000, 128>}, {transform_indices = @transform_1, window_bounds = array<i64: 1000, 1>}, {transform_indices = @transform_2, window_bounds = array<i64: 1000, 128>}, {pipeline_mode = #tpu.pipeline_mode<synchronous>, transform_indices = @transform_3, window_bounds = array<i64: 128, 128>}, {pipeline_mode = #tpu.pipeline_mode<synchronous>, transform_indices = @transform_4, window_bounds = array<i64: 1, 1>}, {transform_indices = @transform_5, window_bounds = array<i64: 1000, 128>}, {transform_indices = @transform_6, window_bounds = array<i64: 1000, 1>}, {transform_indices = @transform_7, window_bounds = array<i64: 1000, 1>}]} {
    %get3A = arith.constant 0 : index
    %get3A_0 = arith.constant 0 : index
    %get3A_1 = vector.load %arg2[%get3A, %get3A_0] : memref<1000x1xf32, #tpu.memory_space<vmem>>, vector<1000x1xf32>
    %max3A = arith.constant 1.000000e+00 : f32
    %max3A_2 = vector.broadcast %max3A : f32 to vector<1000x1xf32>
    %max3A_3 = arith.maximumf %get3A_1, %max3A_2 : vector<1000x1xf32>
    %rsqrt3A = math.rsqrt %max3A_3 : vector<1000x1xf32>
    %get3A_4 = arith.constant 0 : index
    %get3A_5 = arith.constant 0 : index
    %get3A_6 = arith.constant 0 : index
    %get3A_7 = vector.load %arg1[%get3A_4, %get3A_5, %get3A_6] : memref<2x1000x128xf32, #tpu.memory_space<vmem>>, vector<1x1000x128xf32>
    %get3A_8 = vector.shape_cast %get3A_7 : vector<1x1000x128xf32> to vector<1000x128xf32>
    %get3A_9 = arith.constant 1 : index
    %get3A_10 = arith.constant 0 : index
    %get3A_11 = arith.constant 0 : index
    %get3A_12 = vector.load %arg1[%get3A_9, %get3A_10, %get3A_11] : memref<2x1000x128xf32, #tpu.memory_space<vmem>>, vector<1x1000x128xf32>
    %get3A_13 = vector.shape_cast %get3A_12 : vector<1x1000x128xf32> to vector<1000x128xf32>
    %add3A = arith.addf %get3A_8, %get3A_13 : vector<1000x128xf32>
    %mul3A = vector.broadcast %rsqrt3A : vector<1000x1xf32> to vector<1000x128xf32>
    %mul3A_14 = arith.mulf %add3A, %mul3A : vector<1000x128xf32>
    %get3A_15 = arith.constant 0 : index
    %get3A_16 = arith.constant 0 : index
    %get3A_17 = vector.load %arg4[%get3A_15, %get3A_16] : memref<128x128xf32, #tpu.memory_space<vmem>>, vector<128x128xf32>
    %dot_general3A = arith.constant dense<0.000000e+00> : vector<1000x128xf32>
    %dot_general3A_18 = tpu.matmul %mul3A_14, %get3A_17, %dot_general3A {dimension_numbers = #tpu.dot_dimension_numbers<[1], [0], [0], [1], [0, 0, 1, 1], [], []>, transpose_lhs_hint = false} : vector<1000x128xf32>, vector<128x128xf32>, vector<1000x128xf32> -> vector<1000x128xf32>
    %slice3A = vector.extract_strided_slice %dot_general3A_18 {offsets = [0, 0], sizes = [1000, 1], strides = [1, 1]} : vector<1000x128xf32> to vector<1000x1xf32>
    %get3A_19 = arith.constant 0 : index
    %get3A_20 = arith.constant 0 : index
    %get3A_21 = vector.load %arg5[%get3A_19, %get3A_20] : memref<1x1xf32, #tpu.memory_space<vmem>>, vector<1x1xf32>
    %add3A_22 = vector.broadcast %get3A_21 : vector<1x1xf32> to vector<1000x1xf32>
    %add3A_23 = arith.addf %slice3A, %add3A_22 : vector<1000x1xf32>
    %logistic3A = arith.negf %add3A_23 : vector<1000x1xf32>
    %logistic3A_24 = math.exp %logistic3A : vector<1000x1xf32>
    %logistic3A_25 = arith.constant 1.000000e+00 : f32
    %logistic3A_26 = vector.broadcast %logistic3A_25 : f32 to vector<1000x1xf32>
    %logistic3A_27 = arith.addf %logistic3A_26, %logistic3A_24 : vector<1000x1xf32>
    %logistic3A_28 = arith.divf %logistic3A_26, %logistic3A_27 : vector<1000x1xf32>
    %broadcast_in_dim3A = arith.constant 1.000000e+00 : f32
    %broadcast_in_dim3A_29 = vector.broadcast %broadcast_in_dim3A : f32 to vector<1000x1xf32>
    %broadcast_in_dim3A_30 = arith.constant 0.000000e+00 : f32
    %broadcast_in_dim3A_31 = vector.broadcast %broadcast_in_dim3A_30 : f32 to vector<1000x1xf32>
    %broadcast_in_dim3A_32 = arith.constant true
    %broadcast_in_dim3A_33 = vector.broadcast %broadcast_in_dim3A_32 : i1 to vector<1000x1xi1>
    %broadcast_in_dim3A_34 = arith.constant 0.000000e+00 : f32
    %broadcast_in_dim3A_35 = vector.broadcast %broadcast_in_dim3A_34 : f32 to vector<1000x1xf32>
    %broadcast_in_dim3A_36 = arith.constant 0.000000e+00 : f32
    %broadcast_in_dim3A_37 = vector.broadcast %broadcast_in_dim3A_36 : f32 to vector<1000x1xf32>
    %convert_element_type3A = arith.extui %broadcast_in_dim3A_33 : vector<1000x1xi1> to vector<1000x1xi32>
    %convert_element_type3A_38 = arith.sitofp %convert_element_type3A : vector<1000x1xi32> to vector<1000x1xf32>
    %add3A_39 = arith.addf %broadcast_in_dim3A_31, %logistic3A_28 : vector<1000x1xf32>
    %lt3A = arith.constant 9.900000e-01 : f32
    %lt3A_40 = vector.broadcast %lt3A : f32 to vector<1000x1xf32>
    %lt3A_41 = arith.cmpf olt, %add3A_39, %lt3A_40 : vector<1000x1xf32>
    %and3A = arith.andi %lt3A_41, %broadcast_in_dim3A_33 : vector<1000x1xi1>
    %convert_element_type3A_42 = arith.extui %and3A : vector<1000x1xi1> to vector<1000x1xi32>
    %convert_element_type3A_43 = arith.sitofp %convert_element_type3A_42 : vector<1000x1xi32> to vector<1000x1xf32>
    %add3A_44 = arith.addf %broadcast_in_dim3A_29, %convert_element_type3A_43 : vector<1000x1xf32>
    %mul3A_45 = arith.mulf %convert_element_type3A_43, %logistic3A_28 : vector<1000x1xf32>
    %add3A_46 = arith.addf %broadcast_in_dim3A_31, %mul3A_45 : vector<1000x1xf32>
    %lt3A_47 = arith.constant 1.000000e+01 : f32
    %lt3A_48 = vector.broadcast %lt3A_47 : f32 to vector<1000x1xf32>
    %lt3A_49 = arith.cmpf olt, %add3A_44, %lt3A_48 : vector<1000x1xf32>
    %and3A_50 = arith.andi %and3A, %lt3A_49 : vector<1000x1xi1>
    %sub3A = arith.constant 1.000000e+00 : f32
    %sub3A_51 = vector.broadcast %sub3A : f32 to vector<1000x1xf32>
    %sub3A_52 = arith.subf %sub3A_51, %add3A_46 : vector<1000x1xf32>
    %select_n3A = arith.select %and3A_50, %add3A_46, %sub3A_52 : vector<1000x1xi1>, vector<1000x1xf32>
    %mul3A_53 = arith.mulf %select_n3A, %convert_element_type3A_38 : vector<1000x1xf32>
    %add3A_54 = arith.addf %broadcast_in_dim3A_35, %mul3A_53 : vector<1000x1xf32>
    %sub3A_55 = arith.constant 1.000000e+00 : f32
    %sub3A_56 = vector.broadcast %sub3A_55 : f32 to vector<1000x1xf32>
    %sub3A_57 = arith.subf %sub3A_56, %select_n3A : vector<1000x1xf32>
    %mul3A_58 = arith.mulf %sub3A_57, %convert_element_type3A_38 : vector<1000x1xf32>
    %add3A_59 = arith.addf %broadcast_in_dim3A_37, %mul3A_58 : vector<1000x1xf32>
    %and3A_60 = arith.andi %broadcast_in_dim3A_33, %and3A : vector<1000x1xi1>
    %convert_element_type3A_61 = arith.extui %and3A_60 : vector<1000x1xi1> to vector<1000x1xi32>
    %convert_element_type3A_62 = arith.sitofp %convert_element_type3A_61 : vector<1000x1xi32> to vector<1000x1xf32>
    %add3A_63 = arith.addf %add3A_46, %logistic3A_28 : vector<1000x1xf32>
    %lt3A_64 = arith.constant 9.900000e-01 : f32
    %lt3A_65 = vector.broadcast %lt3A_64 : f32 to vector<1000x1xf32>
    %lt3A_66 = arith.cmpf olt, %add3A_63, %lt3A_65 : vector<1000x1xf32>
    %and3A_67 = arith.andi %lt3A_66, %and3A_60 : vector<1000x1xi1>
    %convert_element_type3A_68 = arith.extui %and3A_67 : vector<1000x1xi1> to vector<1000x1xi32>
    %convert_element_type3A_69 = arith.sitofp %convert_element_type3A_68 : vector<1000x1xi32> to vector<1000x1xf32>
    %add3A_70 = arith.addf %add3A_44, %convert_element_type3A_69 : vector<1000x1xf32>
    %mul3A_71 = arith.mulf %convert_element_type3A_69, %logistic3A_28 : vector<1000x1xf32>
    %add3A_72 = arith.addf %add3A_46, %mul3A_71 : vector<1000x1xf32>
    %add3A_73 = arith.addf %add3A_54, %convert_element_type3A_62 : vector<1000x1xf32>
    %and3A_74 = arith.andi %and3A_60, %and3A_67 : vector<1000x1xi1>
    %convert_element_type3A_75 = arith.extui %and3A_74 : vector<1000x1xi1> to vector<1000x1xi32>
    %convert_element_type3A_76 = arith.sitofp %convert_element_type3A_75 : vector<1000x1xi32> to vector<1000x1xf32>
    %add3A_77 = arith.addf %add3A_72, %logistic3A_28 : vector<1000x1xf32>
    %lt3A_78 = arith.constant 9.900000e-01 : f32
    %lt3A_79 = vector.broadcast %lt3A_78 : f32 to vector<1000x1xf32>
    %lt3A_80 = arith.cmpf olt, %add3A_77, %lt3A_79 : vector<1000x1xf32>
    %and3A_81 = arith.andi %lt3A_80, %and3A_74 : vector<1000x1xi1>
    %convert_element_type3A_82 = arith.extui %and3A_81 : vector<1000x1xi1> to vector<1000x1xi32>
    %convert_element_type3A_83 = arith.sitofp %convert_element_type3A_82 : vector<1000x1xi32> to vector<1000x1xf32>
    %add3A_84 = arith.addf %add3A_70, %convert_element_type3A_83 : vector<1000x1xf32>
    %mul3A_85 = arith.mulf %convert_element_type3A_83, %logistic3A_28 : vector<1000x1xf32>
    %add3A_86 = arith.addf %add3A_72, %mul3A_85 : vector<1000x1xf32>
    %add3A_87 = arith.addf %add3A_73, %convert_element_type3A_76 : vector<1000x1xf32>
    %and3A_88 = arith.andi %and3A_74, %and3A_81 : vector<1000x1xi1>
    %convert_element_type3A_89 = arith.extui %and3A_88 : vector<1000x1xi1> to vector<1000x1xi32>
    %convert_element_type3A_90 = arith.sitofp %convert_element_type3A_89 : vector<1000x1xi32> to vector<1000x1xf32>
    %add3A_91 = arith.addf %add3A_86, %logistic3A_28 : vector<1000x1xf32>
    %lt3A_92 = arith.constant 9.900000e-01 : f32
    %lt3A_93 = vector.broadcast %lt3A_92 : f32 to vector<1000x1xf32>
    %lt3A_94 = arith.cmpf olt, %add3A_91, %lt3A_93 : vector<1000x1xf32>
    %and3A_95 = arith.andi %lt3A_94, %and3A_88 : vector<1000x1xi1>
    %convert_element_type3A_96 = arith.extui %and3A_95 : vector<1000x1xi1> to vector<1000x1xi32>
    %convert_element_type3A_97 = arith.sitofp %convert_element_type3A_96 : vector<1000x1xi32> to vector<1000x1xf32>
    %add3A_98 = arith.addf %add3A_84, %convert_element_type3A_97 : vector<1000x1xf32>
    %mul3A_99 = arith.mulf %convert_element_type3A_97, %logistic3A_28 : vector<1000x1xf32>
    %add3A_100 = arith.addf %add3A_86, %mul3A_99 : vector<1000x1xf32>
    %add3A_101 = arith.addf %add3A_87, %convert_element_type3A_90 : vector<1000x1xf32>
    %and3A_102 = arith.andi %and3A_88, %and3A_95 : vector<1000x1xi1>
    %convert_element_type3A_103 = arith.extui %and3A_102 : vector<1000x1xi1> to vector<1000x1xi32>
    %convert_element_type3A_104 = arith.sitofp %convert_element_type3A_103 : vector<1000x1xi32> to vector<1000x1xf32>
    %add3A_105 = arith.addf %add3A_100, %logistic3A_28 : vector<1000x1xf32>
    %lt3A_106 = arith.constant 9.900000e-01 : f32
    %lt3A_107 = vector.broadcast %lt3A_106 : f32 to vector<1000x1xf32>
    %lt3A_108 = arith.cmpf olt, %add3A_105, %lt3A_107 : vector<1000x1xf32>
    %and3A_109 = arith.andi %lt3A_108, %and3A_102 : vector<1000x1xi1>
    %convert_element_type3A_110 = arith.extui %and3A_109 : vector<1000x1xi1> to vector<1000x1xi32>
    %convert_element_type3A_111 = arith.sitofp %convert_element_type3A_110 : vector<1000x1xi32> to vector<1000x1xf32>
    %add3A_112 = arith.addf %add3A_98, %convert_element_type3A_111 : vector<1000x1xf32>
    %mul3A_113 = arith.mulf %convert_element_type3A_111, %logistic3A_28 : vector<1000x1xf32>
    %add3A_114 = arith.addf %add3A_100, %mul3A_113 : vector<1000x1xf32>
    %add3A_115 = arith.addf %add3A_101, %convert_element_type3A_104 : vector<1000x1xf32>
    %and3A_116 = arith.andi %and3A_102, %and3A_109 : vector<1000x1xi1>
    %convert_element_type3A_117 = arith.extui %and3A_116 : vector<1000x1xi1> to vector<1000x1xi32>
    %convert_element_type3A_118 = arith.sitofp %convert_element_type3A_117 : vector<1000x1xi32> to vector<1000x1xf32>
    %add3A_119 = arith.addf %add3A_114, %logistic3A_28 : vector<1000x1xf32>
    %lt3A_120 = arith.constant 9.900000e-01 : f32
    %lt3A_121 = vector.broadcast %lt3A_120 : f32 to vector<1000x1xf32>
    %lt3A_122 = arith.cmpf olt, %add3A_119, %lt3A_121 : vector<1000x1xf32>
    %and3A_123 = arith.andi %lt3A_122, %and3A_116 : vector<1000x1xi1>
    %convert_element_type3A_124 = arith.extui %and3A_123 : vector<1000x1xi1> to vector<1000x1xi32>
    %convert_element_type3A_125 = arith.sitofp %convert_element_type3A_124 : vector<1000x1xi32> to vector<1000x1xf32>
    %add3A_126 = arith.addf %add3A_112, %convert_element_type3A_125 : vector<1000x1xf32>
    %mul3A_127 = arith.mulf %convert_element_type3A_125, %logistic3A_28 : vector<1000x1xf32>
    %add3A_128 = arith.addf %add3A_114, %mul3A_127 : vector<1000x1xf32>
    %add3A_129 = arith.addf %add3A_115, %convert_element_type3A_118 : vector<1000x1xf32>
    %and3A_130 = arith.andi %and3A_116, %and3A_123 : vector<1000x1xi1>
    %convert_element_type3A_131 = arith.extui %and3A_130 : vector<1000x1xi1> to vector<1000x1xi32>
    %convert_element_type3A_132 = arith.sitofp %convert_element_type3A_131 : vector<1000x1xi32> to vector<1000x1xf32>
    %add3A_133 = arith.addf %add3A_128, %logistic3A_28 : vector<1000x1xf32>
    %lt3A_134 = arith.constant 9.900000e-01 : f32
    %lt3A_135 = vector.broadcast %lt3A_134 : f32 to vector<1000x1xf32>
    %lt3A_136 = arith.cmpf olt, %add3A_133, %lt3A_135 : vector<1000x1xf32>
    %and3A_137 = arith.andi %lt3A_136, %and3A_130 : vector<1000x1xi1>
    %convert_element_type3A_138 = arith.extui %and3A_137 : vector<1000x1xi1> to vector<1000x1xi32>
    %convert_element_type3A_139 = arith.sitofp %convert_element_type3A_138 : vector<1000x1xi32> to vector<1000x1xf32>
    %add3A_140 = arith.addf %add3A_126, %convert_element_type3A_139 : vector<1000x1xf32>
    %mul3A_141 = arith.mulf %convert_element_type3A_139, %logistic3A_28 : vector<1000x1xf32>
    %add3A_142 = arith.addf %add3A_128, %mul3A_141 : vector<1000x1xf32>
    %add3A_143 = arith.addf %add3A_129, %convert_element_type3A_132 : vector<1000x1xf32>
    %and3A_144 = arith.andi %and3A_130, %and3A_137 : vector<1000x1xi1>
    %convert_element_type3A_145 = arith.extui %and3A_144 : vector<1000x1xi1> to vector<1000x1xi32>
    %convert_element_type3A_146 = arith.sitofp %convert_element_type3A_145 : vector<1000x1xi32> to vector<1000x1xf32>
    %add3A_147 = arith.addf %add3A_142, %logistic3A_28 : vector<1000x1xf32>
    %lt3A_148 = arith.constant 9.900000e-01 : f32
    %lt3A_149 = vector.broadcast %lt3A_148 : f32 to vector<1000x1xf32>
    %lt3A_150 = arith.cmpf olt, %add3A_147, %lt3A_149 : vector<1000x1xf32>
    %and3A_151 = arith.andi %lt3A_150, %and3A_144 : vector<1000x1xi1>
    %convert_element_type3A_152 = arith.extui %and3A_151 : vector<1000x1xi1> to vector<1000x1xi32>
    %convert_element_type3A_153 = arith.sitofp %convert_element_type3A_152 : vector<1000x1xi32> to vector<1000x1xf32>
    %add3A_154 = arith.addf %add3A_140, %convert_element_type3A_153 : vector<1000x1xf32>
    %mul3A_155 = arith.mulf %convert_element_type3A_153, %logistic3A_28 : vector<1000x1xf32>
    %add3A_156 = arith.addf %add3A_142, %mul3A_155 : vector<1000x1xf32>
    %add3A_157 = arith.addf %add3A_143, %convert_element_type3A_146 : vector<1000x1xf32>
    %and3A_158 = arith.andi %and3A_144, %and3A_151 : vector<1000x1xi1>
    %convert_element_type3A_159 = arith.extui %and3A_158 : vector<1000x1xi1> to vector<1000x1xi32>
    %convert_element_type3A_160 = arith.sitofp %convert_element_type3A_159 : vector<1000x1xi32> to vector<1000x1xf32>
    %add3A_161 = arith.addf %add3A_156, %logistic3A_28 : vector<1000x1xf32>
    %lt3A_162 = arith.constant 9.900000e-01 : f32
    %lt3A_163 = vector.broadcast %lt3A_162 : f32 to vector<1000x1xf32>
    %lt3A_164 = arith.cmpf olt, %add3A_161, %lt3A_163 : vector<1000x1xf32>
    %and3A_165 = arith.andi %lt3A_164, %and3A_158 : vector<1000x1xi1>
    %convert_element_type3A_166 = arith.extui %and3A_165 : vector<1000x1xi1> to vector<1000x1xi32>
    %convert_element_type3A_167 = arith.sitofp %convert_element_type3A_166 : vector<1000x1xi32> to vector<1000x1xf32>
    %add3A_168 = arith.addf %add3A_154, %convert_element_type3A_167 : vector<1000x1xf32>
    %mul3A_169 = arith.mulf %convert_element_type3A_167, %logistic3A_28 : vector<1000x1xf32>
    %add3A_170 = arith.addf %add3A_156, %mul3A_169 : vector<1000x1xf32>
    %add3A_171 = arith.addf %add3A_157, %convert_element_type3A_160 : vector<1000x1xf32>
    %and3A_172 = arith.andi %and3A_158, %and3A_165 : vector<1000x1xi1>
    %convert_element_type3A_173 = arith.extui %and3A_172 : vector<1000x1xi1> to vector<1000x1xi32>
    %convert_element_type3A_174 = arith.sitofp %convert_element_type3A_173 : vector<1000x1xi32> to vector<1000x1xf32>
    %add3A_175 = arith.addf %add3A_170, %logistic3A_28 : vector<1000x1xf32>
    %lt3A_176 = arith.constant 9.900000e-01 : f32
    %lt3A_177 = vector.broadcast %lt3A_176 : f32 to vector<1000x1xf32>
    %lt3A_178 = arith.cmpf olt, %add3A_175, %lt3A_177 : vector<1000x1xf32>
    %and3A_179 = arith.andi %lt3A_178, %and3A_172 : vector<1000x1xi1>
    %convert_element_type3A_180 = arith.extui %and3A_179 : vector<1000x1xi1> to vector<1000x1xi32>
    %convert_element_type3A_181 = arith.sitofp %convert_element_type3A_180 : vector<1000x1xi32> to vector<1000x1xf32>
    %add3A_182 = arith.addf %add3A_168, %convert_element_type3A_181 : vector<1000x1xf32>
    %mul3A_183 = arith.mulf %convert_element_type3A_181, %logistic3A_28 : vector<1000x1xf32>
    %add3A_184 = arith.addf %add3A_170, %mul3A_183 : vector<1000x1xf32>
    %add3A_185 = arith.addf %add3A_171, %convert_element_type3A_174 : vector<1000x1xf32>
    %mul3A_186 = vector.broadcast %add3A_185 : vector<1000x1xf32> to vector<1000x128xf32>
    %mul3A_187 = arith.mulf %mul3A_186, %mul3A_14 : vector<1000x128xf32>
    %get3A_188 = arith.constant 0 : index
    %get3A_189 = arith.constant 0 : index
    %get3A_190 = vector.load %arg3[%get3A_188, %get3A_189] : memref<1000x128xf32, #tpu.memory_space<vmem>>, vector<1000x128xf32>
    %mul3A_191 = vector.broadcast %add3A_59 : vector<1000x1xf32> to vector<1000x128xf32>
    %mul3A_192 = arith.mulf %mul3A_191, %get3A_190 : vector<1000x128xf32>
    %add3A_193 = arith.addf %mul3A_187, %mul3A_192 : vector<1000x128xf32>
    %div3A = vector.broadcast %add3A_182 : vector<1000x1xf32> to vector<1000x128xf32>
    %div3A_194 = arith.divf %add3A_193, %div3A : vector<1000x128xf32>
    %swap3A = arith.constant 0 : index
    %swap3A_195 = arith.constant 0 : index
    %swap3A_196 = vector.load %arg6[%swap3A, %swap3A_195] : memref<1000x128xf32, #tpu.memory_space<vmem>>, vector<1000x128xf32>
    tpu.vector_store %arg6[%swap3A, %swap3A_195], %div3A_194 {strides = array<i32>} : memref<1000x128xf32, #tpu.memory_space<vmem>>, vector<1000x128xf32>,
    %swap3A_197 = arith.constant 0 : index
    %swap3A_198 = arith.constant 0 : index
    %swap3A_199 = vector.load %arg7[%swap3A_197, %swap3A_198] : memref<1000x1xf32, #tpu.memory_space<vmem>>, vector<1000x1xf32>
    tpu.vector_store %arg7[%swap3A_197, %swap3A_198], %add3A_182 {strides = array<i32>} : memref<1000x1xf32, #tpu.memory_space<vmem>>, vector<1000x1xf32>,
    %sub3A_200 = arith.constant 1.000000e+00 : f32
    %sub3A_201 = vector.broadcast %sub3A_200 : f32 to vector<1000x1xf32>
    %sub3A_202 = arith.subf %sub3A_201, %add3A_184 : vector<1000x1xf32>
    %swap3A_203 = arith.constant 0 : index
    %swap3A_204 = arith.constant 0 : index
    %swap3A_205 = vector.load %arg8[%swap3A_203, %swap3A_204] : memref<1000x1xf32, #tpu.memory_space<vmem>>, vector<1000x1xf32>
    tpu.vector_store %arg8[%swap3A_203, %swap3A_204], %sub3A_202 {strides = array<i32>} : memref<1000x1xf32, #tpu.memory_space<vmem>>, vector<1000x1xf32>,
    return
  }
  func.func @transform_0(%arg0: i32) -> (i32, i32, i32) {
    %c0_i32 = arith.constant 0 : i32
    %c0_i32_0 = arith.constant 0 : i32
    %c0_i32_1 = arith.constant 0 : i32
    return %c0_i32, %arg0, %c0_i32_0 : i32, i32, i32
  }
  func.func @transform_1(%arg0: i32) -> (i32, i32) {
    %c0_i32 = arith.constant 0 : i32
    %c0_i32_0 = arith.constant 0 : i32
    return %arg0, %c0_i32 : i32, i32
  }
  func.func @transform_2(%arg0: i32) -> (i32, i32) {
    %c0_i32 = arith.constant 0 : i32
    %c0_i32_0 = arith.constant 0 : i32
    return %arg0, %c0_i32 : i32, i32
  }
  func.func @transform_3(%arg0: i32) -> (i32, i32) {
    %c0_i32 = arith.constant 0 : i32
    %c0_i32_0 = arith.constant 0 : i32
    %c0_i32_1 = arith.constant 0 : i32
    return %c0_i32, %c0_i32_0 : i32, i32
  }
  func.func @transform_4(%arg0: i32) -> (i32, i32) {
    %c0_i32 = arith.constant 0 : i32
    %c0_i32_0 = arith.constant 0 : i32
    %c0_i32_1 = arith.constant 0 : i32
    return %c0_i32, %c0_i32_0 : i32, i32
  }
  func.func @transform_5(%arg0: i32) -> (i32, i32) {
    %c0_i32 = arith.constant 0 : i32
    %c0_i32_0 = arith.constant 0 : i32
    return %arg0, %c0_i32 : i32, i32
  }
  func.func @transform_6(%arg0: i32) -> (i32, i32) {
    %c0_i32 = arith.constant 0 : i32
    %c0_i32_0 = arith.constant 0 : i32
    return %arg0, %c0_i32 : i32, i32
  }
  func.func @transform_7(%arg0: i32) -> (i32, i32) {
    %c0_i32 = arith.constant 0 : i32
    %c0_i32_0 = arith.constant 0 : i32
    return %arg0, %c0_i32 : i32, i32
  }
}

</mosaic_0001>

<sc_bundles>
// kernel: kernel.6.cloned.1.call-start
scs
__scs_entry_jumppad:
0x0: {  	(pc) =	sbr.rel $0x88, $3  }
0x1: {  	(tag) =	ssettag $0x0;
	lr =	simm.s32 $0x1  }
0x2: {  	[smem:$0x3F9D] =	sst lr;
	_ =	strace $0xD0000000  }
0x3: {  	_ = 	snop  }
0x4: {  	_ = 	snop  }
0x5: {  	_ = 	snop  }
0x6: {  	_ = 	snop  }
0x7: {  	_ = 	snop  }
__scs_overlays_trampoline_lowered:
0x8: {  	[smem:$0x3FAC] =	sst s0  }
0x9: {  	[smem:$0x3FAD] =	sst s1  }
0xa: {  	[smem:$0x3FAE] =	sst s2  }
0xb: {  	[smem:$0x3FAF] =	sst s3  }
0xc: {  	[smem:$0x3FB0] =	sst s4  }
0xd: {  	[smem:$0x3FB1] =	sst s5  }
0xe: {  	[smem:$0x3FB2] =	sst s6  }
0xf: {  	[smem:$0x3FB3] =	sst s7  }
0x10: {  	[smem:$0x3FB4] =	sst s8  }
0x11: {  	[smem:$0x3FB5] =	sst s9;
	s0 =	simm.s32 @!p0 $0x0  }
0x12: {  	s1 =	sld [smem:$0x3F9B];
	s0 =	simm.s32 @p0 $0x1  }
0x13: {  	[smem:$0x3FB6] =	sst s0;
	s0 =	simm.s32 @!p1 $0x0  }
0x14: {  	s2 =	sld [smem:$0x3F9A];
	s0 =	simm.s32 @p1 $0x1  }
0x15: {  	[smem:$0x3FB7] =	sst s0;
	s0 =	simm.s32 @!p2 $0x0  }
0x16: {  	s3 =	sld [smem:$0x3FDB];
	s0 =	simm.s32 @p2 $0x1  }
0x17: {  	s4 =	simm.s32 $0x1BF5;
	[smem:$0x3FB9] =	sst s0  }
0x18: {  	s0 =	sld [smem:$0x3F9C];
	_ =	swait.ge [sflag:s4], $0x0  }
0x19: {  	s7 =	sld [smem:$0x3F9D]  }
0x1a: {  	s8 =	sadd.s32 $0xFFFFE003, lr  }
0x1b: {  	s9 =	sadd.s32 $0xFFFFFEF7, lr;
	s5 =	simm.s32 $0xFFFFFFFF;
	p2 =	slt.u32 s8, $0xFFFFF086  }
0x1c: {  	p1 =	slt.u32 s9, $0xF7A;
	s5 =	simm.s32 @!p2 $0x0  }
0x1d: {  	s5 =	simm.s32 @p1 $0x1;
	p0 =	seq.s32 s7, s2  }
0x1e: {  	s7 =	smul.u32 @!p0 $0xF7A, s2;
	p2 =	seq.s32 @!p0 s5, $0x0  }
0x1f: {  	s9 =	smul.u32 $0xF7A, s1;
	s8 =	simm.s32 @!p0 $0x1BF5;
	p2 =	por !p2, p0  }
0x20: {  	[sflag:s8] =	ssyncset.s32 @!p0 $0xFFFFF086;
	s6 =	sadd.s32 @!p0 s3, s7;
	s7 =	simm.s32 @!p0 $0x108  }
0x21: {  	s3 =	sadd.s32 s3, s9;
	s6 =	sadd.s32 @!p0 $0x88, s6;
	s7 =	simm.s32 @p2 $0x1082  }
0x22: {  	[simem:s7], [sflag:s8] =	dma.local @!p0 [hbm:s6], $0xF7A  }
0x23: {  	s9 =	sor.u32 $0xD0000000, s2;
	s6 =	simm.s32 $0x108;
	_ =	swait.ge @!p0 [sflag:s8], $0x0  }
0x24: {  	s3 =	sadd.s32 $0x88, s3;
	s6 =	simm.s32 @!p1 $0x1082;
	[sflag:s4] =	ssyncset.s32 $0xFFFFF086  }
0x25: {  	[simem:s6], [sflag:s4] =	dma.local [hbm:s3], $0xF7A  }
0x26: {  	[smem:$0x3F9D] =	sst s1;
	(tag) =	ssettag s2;
	_ =	strace s9  }
0x27: {  	s1 =	sld [smem:$0x3FAD]  }
0x28: {  	s2 =	sld [smem:$0x3FAE]  }
0x29: {  	s4 =	sld [smem:$0x3FB0]  }
0x2a: {  	p0 =	seq.s32 s5, $0x0;
	s5 =	sld [smem:$0x3FB1]  }
0x2b: {  	s6 =	sld [smem:$0x3FB2]  }
0x2c: {  	s7 =	sld [smem:$0x3FB3]  }
0x2d: {  	s3 =	simm.s32 $0x108;
	s8 =	sld [smem:$0x3FB4]  }
0x2e: {  	s3 =	simm.s32 @!p0 $0x1082;
	s9 =	sld [smem:$0x3FB5]  }
0x2f: {  	lr =	sadd.s32 s0, s3;
	s0 =	sld [smem:$0x3FAC]  }
0x30: {  	s3 =	sld [smem:$0x3FAF]  }
0x31: {  	[smem:$0x3FB8] =	sst s10  }
0x32: {  	s10 =	sld [smem:$0x3FB6];
	_ =	sdelay $0x3  }
0x33: {  	p0 =	seq.s32 s10, $0x1;
	s10 =	sld [smem:$0x3FB8];
	_ =	sdelay $0x3  }
0x34: {  	[smem:$0x3FB8] =	sst s10  }
0x35: {  	s10 =	sld [smem:$0x3FB7];
	_ =	sdelay $0x3  }
0x36: {  	p1 =	seq.s32 s10, $0x1;
	s10 =	sld [smem:$0x3FB8];
	_ =	sdelay $0x3  }
0x37: {  	[smem:$0x3FB8] =	sst s10  }
0x38: {  	s10 =	sld [smem:$0x3FB9]  }
0x39: {  	_ = 	snop;
	(pc) =	sbr.ind lr, $3  }
0x3a: {  	_ = 	snop  }
0x3b: {  	_ = 	snop  }
0x3c: {  	p2 =	seq.s32 s10, $0x1;
	s10 =	sld [smem:$0x3FB8]  }
0x3d: {  	_ =	shalt  }
0x3e: {  	_ =	shalt  }
0x3f: {  	_ =	shalt  }
0x40: {  	_ =	shalt  }
0x41: {  	_ =	shalt  }
0x42: {  	_ =	shalt  }
0x43: {  	_ =	shalt  }
0x44: {  	_ =	shalt  }
0x45: {  	_ =	shalt  }
0x46: {  	_ =	shalt  }
0x47: {  	_ =	shalt  }
0x48: {  	_ =	shalt  }
0x49: {  	_ =	shalt  }
0x4a: {  	_ =	shalt  }
0x4b: {  	_ =	shalt  }
0x4c: {  	_ =	shalt  }
0x4d: {  	_ =	shalt  }
0x4e: {  	_ =	shalt  }
0x4f: {  	_ =	shalt  }
0x50: {  	_ =	shalt  }
0x51: {  	_ =	shalt  }
0x52: {  	_ =	shalt  }
0x53: {  	_ =	shalt  }
0x54: {  	_ =	shalt  }
0x55: {  	_ =	shalt  }
0x56: {  	_ =	shalt  }
0x57: {  	_ =	shalt  }
0x58: {  	_ =	shalt  }
0x59: {  	_ =	shalt  }
0x5a: {  	_ =	shalt  }
0x5b: {  	_ =	shalt  }
0x5c: {  	_ =	shalt  }
0x5d: {  	_ =	shalt  }
0x5e: {  	_ =	shalt  }
0x5f: {  	_ =	shalt  }
0x60: {  	_ =	shalt  }
0x61: {  	_ =	shalt  }
0x62: {  	_ =	shalt  }
0x63: {  	_ =	shalt  }
0x64: {  	_ =	shalt  }
0x65: {  	_ =	shalt  }
0x66: {  	_ =	shalt  }
0x67: {  	_ =	shalt  }
0x68: {  	_ =	shalt  }
0x69: {  	_ =	shalt  }
0x6a: {  	_ =	shalt  }
0x6b: {  	_ =	shalt  }
0x6c: {  	_ =	shalt  }
0x6d: {  	_ =	shalt  }
0x6e: {  	_ =	shalt  }
0x6f: {  	_ =	shalt  }
0x70: {  	_ =	shalt  }
0x71: {  	_ =	shalt  }
0x72: {  	_ =	shalt  }
0x73: {  	_ =	shalt  }
0x74: {  	_ =	shalt  }
0x75: {  	_ =	shalt  }
0x76: {  	_ =	shalt  }
0x77: {  	_ =	shalt  }
0x78: {  	_ =	shalt  }
0x79: {  	_ =	shalt  }
0x7a: {  	_ =	shalt  }
0x7b: {  	_ =	shalt  }
0x7c: {  	_ =	shalt  }
0x7d: {  	_ =	shalt  }
0x7e: {  	_ =	shalt  }
0x7f: {  	_ =	shalt  }
0x80: {  	_ =	shalt  }
0x81: {  	_ =	shalt  }
0x82: {  	_ =	shalt  }
0x83: {  	_ =	shalt  }
0x84: {  	_ =	shalt  }
0x85: {  	_ =	shalt  }
0x86: {  	_ =	shalt  }
0x87: {  	_ =	shalt  }
.Lfunc_end0:
.L_simem_size_0:
called_computation_lowered:
.L_overlay_start_0:
0x88: {  	s2 =	sld [smem:$0x3FD9]  }
0x89: {  	s3 =	sld [smem:$0x3FFE];
	_ =	sdelay $0x1  }
0x8a: {  	s1 =	srdreg.scid  }
0x8b: {  	s0 =	sand.u32 $0x1, s1  }
0x8c: {  	s14 =	sshll.u32 s0, $0xA;
	s2 =	sadd.s32 s3, s2  }
0x8d: {  	s2 =	sadd.s32 s2, s14  }
0x8e: {  	[smem:$0x3FC4] =	sst s2  }
0x8f: {  	_ = 	snop  }
0x90: {  	s2 =	sld [smem:$0x3FD0];
	_ =	sdelay $0x2  }
0x91: {  	s15 =	simm.s32 $0xA;
	s4 =	simm.s32 $0x10  }
0x92: {  	[smem:s4], [sflag:s15] =	dma.local [hbm:s2], $0x1  }
0x93: {  	_ =	swait.eq [sflag:s15], $0x1  }
0x94: {  	[sflag:s15] =	ssyncset.done $0x0  }
0x95: {  	[sflag:s15] =	ssyncadd.s32 $0xFFFFFFFF  }
0x96: {  	s16 =	sld [smem:$0x10];
	(tm) =	ssettm $0x1  }
0x97: {  	s17 =	sld [smem:$0x3FFB];
	_ =	sdelay $0x3  }
0x98: {  	_ =	strace s17  }
0x99: {  	s3 =	sld [smem:$0x3FFC];
	_ =	sdelay $0x3  }
0x9a: {  	_ =	strace s3  }
0x9b: {  	s3 =	sld [smem:$0x3FFD];
	_ =	sdelay $0x3  }
0x9c: {  	_ =	strace s3  }
0x9d: {  	_ =	strace $0x8FFFFFFF  }
0x9e: {  	s18 =	sld [smem:$0x3FDB];
	_ =	sdelay $0x1  }
0x9f: {  	s19 =	simm.s32 $_scs_section_size  }
0xa0: {  	s5 =	simm.s32 $_size__tile_overlayer_lowered;
	s6 =	simm.s32 $_tile_overlayer_lowered  }
0xa1: {  	s22 =	simm.s32 $0x1BFF;
	s21 =	sshll.u32 s6, $0x1;
	s3 =	sadd.s32 s19, s18  }
0xa2: {  	s7 =	simm.s32 $0x0;
	s20 =	sshll.u32 s5, $0x1;
	s5 =	sadd.s32 s21, s3  }
0xa3: {  	[timem:s7], [sflag:s22] =	dma.local [hbm:s5], s20  }
0xa4: {  	_ =	swait.ge [sflag:s22], s20  }
0xa5: {  	s4 =	ssub.s32 $0x0, s20;
	[sflag:s22] =	ssyncset.done $0x0  }
0xa6: {  	[sflag:s22] =	ssyncadd.s32 s4;
	_ =	sdelay $0x1  }
0xa7: {  	s23 =	simm.s32 $0x1B8B  }
0xa8: {  	_ =	swait.ge [sflag:s23], $0x1  }
0xa9: {  	[sflag:s23] =	ssyncset.done $0x0  }
0xaa: {  	s25 =	simm.s32 $0x1B8E;
	s24 =	sld [smem:$0x3FFE];
	[sflag:s23] =	ssyncadd.s32 $0xFFFFFFFF  }
0xab: {  	s26 =	simm.s32 $execute0_lowered;
	[smem:$0x3FD2] =	sst s25  }
0xac: {  	s5 =	sshll.u32 s26, $0x1;
	_ =	strace $0x80000046;
	[dreg:$0x1] =	wrdreg $0xFFFFFFFF  }
0xad: {  	s28 =	simm.s32 $_size_execute0_lowered;
	s3 =	sadd.s32 s3, s5;
	[dreg:$0x0] =	wrdreg $0x0  }
0xae: {  	s5 =	sshll.u32 s28, $0x1;
	[dreg:$0x2] =	wrdreg s3  }
0xaf: {  	[dreg:$0x3] =	wrdreg s5  }
0xb0: {  	[dreg:$0x4] =	wrdreg $0xC0  }
0xb1: {  	_ =	task [dreg:s7], $0x5FFFF  }
0xb2: {  	[dreg:$0x1] =	wrdreg $0xFFFFFFFF  }
0xb3: {  	[dreg:$0x0] =	wrdreg $0x60  }
0xb4: {  	[dreg:$0x2] =	wrdreg s24  }
0xb5: {  	[dreg:$0x3] =	wrdreg s16  }
0xb6: {  	[dreg:$0x4] =	wrdreg $0x0  }
0xb7: {  	[dreg:$0x5] =	wrdreg $0x9  }
0xb8: {  	_ =	task.clear_ibuf [dreg:s7], $0x6FFFF;
	_ =	strace $0x90000046  }
0xb9: {  	s29 =	simm.s32 $0x9;
	_ =	strace $0x80000048  }
0xba: {  	_ =	swait.ge [sflag:s29], $0x1  }
0xbb: {  	[sflag:s29] =	ssyncadd.s32 $0xFFFFFFFF  }
0xbc: {  	_ =	strace $0x90000048  }
0xbd: {  	_ =	sfence  }
0xbe: {  	s30 =	sld [smem:$0x0];
	_ =	sdelay $0x2  }
0xbf: {  	s31 =	sshll.u32 s1, $0xD;
	s1 =	sshrl.u32 s1, $0x2  }
0xc0: {  	s3 =	sand.u32 $0x4000, s31;
	s1 =	sadd.s32 s1, s30  }
0xc1: {  	s0 =	sor.u32 s3, s0;
	s1 =	sshll.u32 s1, $0x11  }
0xc2: {  	s0 =	sor.u32 s1, s0  }
0xc3: {  	s0 =	sadd.s32 $0x8F2B, s0  }
0xc4: {  	[sflag:s0] =	ssyncadd.remote.s32 $0x1  }
0xc5: {  	_ =	sfence.sel $0xFFFF  }
0xc6: {  	[dreg:$0x0] =	wrdreg $0xFFFFFFFF;
	(pc) =	sbr.abs _section_cstart, $3  }
0xc7: {  	[dreg:$0x1] =	wrdreg $0xFFFFFFFF  }
0xc8: {  	_ =	task.clear_ibuf [dreg:s7], $0x2FFFF;
	_ =	strace $0x9FFFFFFF  }
0xc9: {  	(tm) =	ssettm $0x7FFFFFFF  }
tec
execute0_lowered:
.L_overlay_start_1:
0x0: {  	(tag) =	ssettag $0x1  }
0x1: {  	s3 =	rddreg [dreg:$0x0]  }
0x2: {  	s7 =	rddreg [dreg:$0x1]  }
0x3: {  	s6 =	rddreg [dreg:$0x2];
	s1 =	srdreg.scid  }
0x4: {  	s0 =	rddreg [dreg:$0x3];
	s2 =	simm.s32 $0x0;
	s4 =	sand.u32 $0x1, s1  }
0x5: {  	s15 =	simm.s32 $0x14000;
	s1 =	stileid.u32;
	s5 =	smul.u32 $0x4E200, s4  }
0x6: {  	s16 =	simm.s32 $0x5800;
	s17 =	simm.s32 $0x8000;
	s8 =	smul.u32 $0x4E20, s1  }
0x7: {  	s18 =	simm.s32 $0x0;
	[smem:$0x7FF] =	sst s2;
	s11 =	smul.u32 $0x280, s1  }
0x8: {  	s3 =	sadd.s32 $0x800, s3;
	s9 =	sshrl.u32 s1, $0x3;
	s13 =	smul.u32 $0x5000, s1  }
0x9: {  	_ =	strace $0x80000047;
	s10 =	ssub.s32 $0x2, s4;
	s14 =	smul.u32 $0x2800, s4  }
0xa: {  	s26 =	sshll.u32 s1, $0x7;
	s9 =	smul.u32 $0x50000, s9;
	s12 =	sshrl.u32 s10, $0x1  }
0xb: {  	s28 =	sand.u32 $0x380, s26;
	s10 =	ssub.s32 s10, s12;
	s4 =	sadd.s32 s8, s5  }
0xc: {  	s30 =	sshrl.u32 s13, $0x2;
	s11 =	sadd.s32 s11, s14;
	s12 =	simm.s32 $0x80  }
0xd: {  	s13 =	simm.s32 $0x400;
	s14 =	simm.s32 $0x1400;
	s29 =	sshrl.u32 s9, $0x2  }
0xe: {  	s31 =	sshrl.u32 s11, $0x3;
	s9 =	simm.s32 $0x5000;
	s11 =	simm.s32 $0x2800  }
0xf: {  	s8 =	sadd.s32 s29, s6;
	s6 =	sadd.s32 s30, s6;
	s7 =	sadd.s32 s7, s31  }
0x10: {  	v0 =	vimm.f32 $0.0e+00;
	v1 =	vimm.f32 $1.000000000e+00;
	s5 =	sadd.s32 s28, s8;
	s8 =	smax.u32 s10, $0x1;
	s10 =	simm.s32 $0x1  }
.LBB2_1:
0x11: {  	s19 =	simm.s32 $0x40;
	s20 =	simm.s32 $0x0  }
.LBB2_2:
0x12: {  	p0 =	sne.s32 s19, $0x9FC0;
	[tilespmem:s20+$0x2800] =	vst v0;
	s20 =	smov.u32 s19;
	s19 =	sadd.s32 $0x40, s19  }
.Ltmp0:
0x13: {  	(pc) =	sbr.rel @p0 .LBB2_2-.Ltmp0, $2  }
0x14: {  	_ =	sdelay $0x2  }
0x15: {  	s20 =	sshra.s32 s20, $0x2  }
0x16: {  	[tilespmem:s20+$0x2800] =	vst v0;
	s19 =	simm.s32 $0x0;
	s20 =	simm.s32 $0x0  }
.LBB2_4:
0x17: {  	s21 =	smul.u32 $0x7D0, s20;
	_ =	sdelay $0x1  }
0x18: {  	s21 =	sadd.s32 s21, s4  }
0x19: {  	s21 =	sshrl.u32 s21, $0x3  }
0x1a: {  	s21 =	sadd.s32 s3, s21  }
0x1b: {  	[tilespmem:s9], [sflag:$0x1] =	stream.linear.gather [hbm4b:s21+s19], $0x7D0, $0x38;
	[tilespmem:$0x8280] =	vst v63  }
0x1c: {  	_ =	swait.ge [sflag:s10], $0x7D0  }
0x1d: {  	[sflag:s10] =	ssyncset.done $0x0  }
0x1e: {  	s22 =	simm.s32 $0x0;
	s21 =	simm.s32 $0x40;
	[sflag:s10] =	ssyncadd.s32 $0xFFFFF830  }
.LBB2_5:
0x1f: {  	p0 =	sne.s32 s21, $0x1F00;
	v2 =	vld [tilespmem:s22+$0x5000];
	_ =	sdelay $0x3  }
.Ltmp1:
0x20: {  	(pc) =	sbr.rel @p0 .LBB2_5-.Ltmp1, $2  }
0x21: {  	_ =	sdelay $0x2  }
0x22: {  	s22 =	sshra.s32 s21, $0x2;
	s21 =	sadd.s32 $0x40, s21;
	[tilespmem:v2+s11+$0x0] =	vst.idx.add.f32.msk $0xffff, v1  }
0x23: {  	v2 =	vld [tilespmem:s22+$0x5000];
	_ =	sdelay $0x1  }
0x24: {  	s20 =	sadd.s32 $0x1, s20  }
0x25: {  	p0 =	sne.s32 s20, $0xA  }
.Ltmp2:
0x26: {  	_ = 	snop;
	(pc) =	sbr.rel @p0 .LBB2_4-.Ltmp2, $2  }
0x27: {  	_ =	sdelay $0x2  }
0x28: {  	[tilespmem:v2+s11+$0x0] =	vst.idx.add.f32.msk $0xffff, v1  }
0x29: {  	[spmem:s5] =	stream.strided.scatter [tilespmem:s11], [sflag:$0x1], $0x2800, s13, s12, $0x38;
	[tilespmem:$0x8280] =	vst v63  }
0x2a: {  	_ =	swait.ge [sflag:s10], $0x2800  }
0x2b: {  	[sflag:s10] =	ssyncset.done $0x0  }
0x2c: {  	[sflag:s10] =	ssyncadd.s32 $0xFFFFD800  }
0x2d: {  	[bflag:$0x0] =	sbarrier.arrive $0xFFFF  }
0x2e: {  	[tilespmem:s16], [sflag:$0x1] =	stream.strided.gather [spmem:s6], $0x2800, s15, s14, $0x38;
	[tilespmem:$0x8280] =	vst v63  }
0x2f: {  	s19 =	simm.s32 $0x0;
	_ =	swait.ge [sflag:s10], $0x2800  }
0x30: {  	s20 =	sand.u32 $0x70, s19;
	s19 =	sand.u32 $0x1C00, s19;
	[sflag:s10] =	ssyncset.done $0x0  }
0x31: {  	s19 =	sor.u32 s20, s19;
	[sflag:s10] =	ssyncadd.s32 $0xFFFFD800  }
0x32: {  	v2 =	vld [tilespmem:s19+$0x5880]  }
0x33: {  	v3 =	vld [tilespmem:s19+$0x5800];
	_ =	sdelay $0x1  }
0x34: {  	v4 =	vld [tilespmem:s19+$0x5900];
	_ =	sdelay $0x1  }
0x35: {  	v5 =	vld [tilespmem:s19+$0x5980]  }
0x36: {  	v2 =	vadd.f32 v2, v3  }
0x37: {  	v3 =	vld [tilespmem:s19+$0x5A00]  }
0x38: {  	v2 =	vadd.f32 v4, v2  }
0x39: {  	v56 =	vld [tilespmem:s19+$0x5A80]  }
0x3a: {  	v2 =	vadd.f32 v5, v2  }
0x3b: {  	v57 =	vld [tilespmem:s19+$0x5B00]  }
0x3c: {  	v2 =	vadd.f32 v3, v2  }
0x3d: {  	v3 =	vld [tilespmem:s19+$0x5B80]  }
0x3e: {  	v2 =	vadd.f32 v56, v2  }
0x3f: {  	v58 =	vld [tilespmem:s19+$0x6C00]  }
0x40: {  	v2 =	vadd.f32 v57, v2  }
0x41: {  	v59 =	vld [tilespmem:s19+$0x6C80]  }
0x42: {  	v2 =	vadd.f32 v3, v2  }
0x43: {  	v3 =	vld [tilespmem:s19+$0x6D00]  }
0x44: {  	v2 =	vadd.f32 v58, v2  }
0x45: {  	v60 =	vld [tilespmem:s19+$0x6D80]  }
0x46: {  	v2 =	vadd.f32 v59, v2  }
0x47: {  	v61 =	vld [tilespmem:s19+$0x6E00]  }
0x48: {  	v2 =	vadd.f32 v3, v2  }
0x49: {  	v3 =	vld [tilespmem:s19+$0x6E80]  }
0x4a: {  	v2 =	vadd.f32 v60, v2  }
0x4b: {  	v62 =	vld [tilespmem:s19+$0x6F00]  }
0x4c: {  	v2 =	vadd.f32 v61, v2  }
0x4d: {  	v63 =	vld [tilespmem:s19+$0x6F80]  }
0x4e: {  	v2 =	vadd.f32 v3, v2;
	_ =	sdelay $0x1  }
0x4f: {  	v2 =	vadd.f32 v62, v2;
	_ =	sdelay $0x1  }
0x50: {  	s31 =	simm.s32 $0x10;
	s21 =	simm.s32 $0x80;
	v2 =	vadd.f32 v63, v2  }
0x51: {  	s22 =	sand.u32 $0x1C00, s21;
	s20 =	sand.u32 $0x70, s31;
	s19 =	simm.s32 $0x8000  }
0x52: {  	s20 =	sor.u32 s20, s22;
	s22 =	simm.s32 $0x20;
	[tilespmem:s19+$0x0] =	vst v2  }
.LBB2_8:
0x53: {  	p0 =	sne.s32 s22, $0x270;
	v2 =	vld [tilespmem:s20+$0x5880]  }
0x54: {  	v3 =	vld [tilespmem:s20+$0x5800];
	_ =	sdelay $0x1  }
0x55: {  	v4 =	vld [tilespmem:s20+$0x5900];
	_ =	sdelay $0x1  }
0x56: {  	v5 =	vld [tilespmem:s20+$0x5980]  }
0x57: {  	v2 =	vadd.f32 v2, v3  }
0x58: {  	v3 =	vld [tilespmem:s20+$0x5A00]  }
0x59: {  	v2 =	vadd.f32 v4, v2  }
0x5a: {  	v4 =	vld [tilespmem:s20+$0x5A80]  }
0x5b: {  	v2 =	vadd.f32 v5, v2  }
0x5c: {  	v5 =	vld [tilespmem:s20+$0x5B00]  }
0x5d: {  	v2 =	vadd.f32 v3, v2  }
0x5e: {  	v3 =	vld [tilespmem:s20+$0x5B80]  }
0x5f: {  	v2 =	vadd.f32 v4, v2  }
0x60: {  	v4 =	vld [tilespmem:s20+$0x6C00]  }
0x61: {  	v2 =	vadd.f32 v5, v2  }
0x62: {  	v5 =	vld [tilespmem:s20+$0x6C80]  }
0x63: {  	v2 =	vadd.f32 v3, v2  }
0x64: {  	v3 =	vld [tilespmem:s20+$0x6D00]  }
0x65: {  	v2 =	vadd.f32 v4, v2  }
0x66: {  	v4 =	vld [tilespmem:s20+$0x6D80]  }
0x67: {  	v2 =	vadd.f32 v5, v2  }
0x68: {  	v5 =	vld [tilespmem:s20+$0x6E00]  }
0x69: {  	v2 =	vadd.f32 v3, v2  }
0x6a: {  	v3 =	vld [tilespmem:s20+$0x6E80]  }
0x6b: {  	v2 =	vadd.f32 v4, v2  }
0x6c: {  	v4 =	vld [tilespmem:s20+$0x6F00]  }
0x6d: {  	v2 =	vadd.f32 v5, v2  }
0x6e: {  	v5 =	vld [tilespmem:s20+$0x6F80]  }
0x6f: {  	v2 =	vadd.f32 v3, v2;
	_ =	sdelay $0x1  }
.Ltmp3:
0x70: {  	v2 =	vadd.f32 v4, v2;
	(pc) =	sbr.rel @p0 .LBB2_8-.Ltmp3, $4  }
0x71: {  	_ = 	snop  }
0x72: {  	s21 =	sadd.s32 $0x80, s21;
	v2 =	vadd.f32 v5, v2  }
0x73: {  	s19 =	sadd.s32 $0x10, s19;
	s23 =	sand.u32 $0x1C00, s21;
	s20 =	sand.u32 $0x70, s22  }
0x74: {  	s22 =	sadd.s32 $0x10, s22;
	s20 =	sor.u32 s20, s23;
	[tilespmem:s19+$0x0] =	vst v2  }
0x75: {  	v2 =	vld [tilespmem:s20+$0x5880]  }
0x76: {  	v3 =	vld [tilespmem:s20+$0x5800];
	_ =	sdelay $0x1  }
0x77: {  	v4 =	vld [tilespmem:s20+$0x5900];
	_ =	sdelay $0x1  }
0x78: {  	v5 =	vld [tilespmem:s20+$0x5980]  }
0x79: {  	v2 =	vadd.f32 v2, v3  }
0x7a: {  	v3 =	vld [tilespmem:s20+$0x5A00]  }
0x7b: {  	v2 =	vadd.f32 v4, v2  }
0x7c: {  	v56 =	vld [tilespmem:s20+$0x5A80]  }
0x7d: {  	v2 =	vadd.f32 v5, v2  }
0x7e: {  	v57 =	vld [tilespmem:s20+$0x5B00]  }
0x7f: {  	v2 =	vadd.f32 v3, v2  }
0x80: {  	v3 =	vld [tilespmem:s20+$0x5B80]  }
0x81: {  	v2 =	vadd.f32 v56, v2  }
0x82: {  	v58 =	vld [tilespmem:s20+$0x6C00]  }
0x83: {  	v2 =	vadd.f32 v57, v2  }
0x84: {  	v59 =	vld [tilespmem:s20+$0x6C80]  }
0x85: {  	v2 =	vadd.f32 v3, v2  }
0x86: {  	v3 =	vld [tilespmem:s20+$0x6D00]  }
0x87: {  	v2 =	vadd.f32 v58, v2  }
0x88: {  	v60 =	vld [tilespmem:s20+$0x6D80]  }
0x89: {  	v2 =	vadd.f32 v59, v2  }
0x8a: {  	v61 =	vld [tilespmem:s20+$0x6E00]  }
0x8b: {  	v2 =	vadd.f32 v3, v2  }
0x8c: {  	v3 =	vld [tilespmem:s20+$0x6E80]  }
0x8d: {  	v2 =	vadd.f32 v60, v2  }
0x8e: {  	v62 =	vld [tilespmem:s20+$0x6F00]  }
0x8f: {  	v2 =	vadd.f32 v61, v2  }
0x90: {  	v63 =	vld [tilespmem:s20+$0x6F80]  }
0x91: {  	v2 =	vadd.f32 v3, v2;
	_ =	sdelay $0x1  }
0x92: {  	v2 =	vadd.f32 v62, v2;
	_ =	sdelay $0x1  }
0x93: {  	s18 =	sadd.s32 $0x1, s18;
	v2 =	vadd.f32 v63, v2  }
0x94: {  	s19 =	sadd.s32 $0x10, s19;
	p0 =	sne.s32 s18, s8  }
.Ltmp4:
0x95: {  	[tilespmem:s19+$0x0] =	vst v2;
	(pc) =	sbr.rel @p0 .LBB2_1-.Ltmp4, $4  }
0x96: {  	[hbm4b:s7+s2] =	stream.linear.scatter [tilespmem:s17], [sflag:$0x1], $0x280, $0x38;
	[tilespmem:$0x8280] =	vst v63  }
0x97: {  	_ =	swait.ge [sflag:s10], $0x280  }
0x98: {  	[sflag:s10] =	ssyncset.done $0x0  }
0x99: {  	[sflag:s10] =	ssyncadd.s32 $0xFFFFFD80  }
0x9a: {  	_ =	sfence.sel $0x180000  }
0x9b: {  	[bflag:$0x0] =	sbarrier.arrive $0xFFFF  }
0x9c: {  	p0 =	sne.s32 s1, $0x0;
	_ =	strace $0x90000047  }
0x9d: {  	s0 =	sadd.s32 @!p0 $0x100000, s0;
	[bflag:$0x2] =	sbarrier.arrive $0xFFFF  }
0x9e: {  	[sflag:s0] =	ssyncadd.tile.s32 @!p0 $0x1;
	_ =	shalt  }
.Lfunc_end2:
_tile_overlayer_lowered:
.L_overlay_start_2:
0x9f: {  	(tag) =	ssettag $0x2  }
0xa0: {  	s0 =	rddreg [dreg:$0x0];
	s2 =	stileid.u32  }
0xa1: {  	s1 =	rddreg [dreg:$0x1];
	p0 =	sne.s32 s2, $0x0  }
0xa2: {  	s3 =	rddreg [dreg:$0x2];
	[bflag:$0x3] =	sbarrier.arrive $0xFFFF;
	s2 =	simm.s32 @!p0 $0x1C01  }
0xa3: {  	[timem:s3], [sflag:s2] =	dma.local @!p0 [hbm:s0], s1  }
0xa4: {  	s0 =	simm.s32 @!p0 $0x1  }
0xa5: {  	_ =	swait.ge @!p0 [sflag:s0], s1  }
0xa6: {  	s1 =	ssub.s32 @!p0 $0x0, s1;
	[sflag:s0] =	ssyncset.done @!p0 $0x0  }
0xa7: {  	[sflag:s0] =	ssyncadd.s32 @!p0 s1  }
0xa8: {  	[bflag:$0x3] =	sbarrier.arrive $0xFFFF  }
0xa9: {  	_ =	shalt  }

// kernel: kernel.9.cloned.1.call-start
scs
__scs_entry_jumppad:
0x0: {  	(pc) =	sbr.rel $0x88, $3  }
0x1: {  	(tag) =	ssettag $0x0;
	lr =	simm.s32 $0x1  }
0x2: {  	[smem:$0x3F9D] =	sst lr;
	_ =	strace $0xD0000000  }
0x3: {  	_ = 	snop  }
0x4: {  	_ = 	snop  }
0x5: {  	_ = 	snop  }
0x6: {  	_ = 	snop  }
0x7: {  	_ = 	snop  }
__scs_overlays_trampoline_lowered:
0x8: {  	[smem:$0x3FAC] =	sst s0  }
0x9: {  	[smem:$0x3FAD] =	sst s1  }
0xa: {  	[smem:$0x3FAE] =	sst s2  }
0xb: {  	[smem:$0x3FAF] =	sst s3  }
0xc: {  	[smem:$0x3FB0] =	sst s4  }
0xd: {  	[smem:$0x3FB1] =	sst s5  }
0xe: {  	[smem:$0x3FB2] =	sst s6  }
0xf: {  	[smem:$0x3FB3] =	sst s7  }
0x10: {  	[smem:$0x3FB4] =	sst s8  }
0x11: {  	[smem:$0x3FB5] =	sst s9;
	s0 =	simm.s32 @!p0 $0x0  }
0x12: {  	s1 =	sld [smem:$0x3F9B];
	s0 =	simm.s32 @p0 $0x1  }
0x13: {  	[smem:$0x3FB6] =	sst s0;
	s0 =	simm.s32 @!p1 $0x0  }
0x14: {  	s2 =	sld [smem:$0x3F9A];
	s0 =	simm.s32 @p1 $0x1  }
0x15: {  	[smem:$0x3FB7] =	sst s0;
	s0 =	simm.s32 @!p2 $0x0  }
0x16: {  	s3 =	sld [smem:$0x3FDB];
	s0 =	simm.s32 @p2 $0x1  }
0x17: {  	s4 =	simm.s32 $0x1BF5;
	[smem:$0x3FB9] =	sst s0  }
0x18: {  	s0 =	sld [smem:$0x3F9C];
	_ =	swait.ge [sflag:s4], $0x0  }
0x19: {  	s7 =	sld [smem:$0x3F9D]  }
0x1a: {  	s8 =	sadd.s32 $0xFFFFE003, lr  }
0x1b: {  	s9 =	sadd.s32 $0xFFFFFEF7, lr;
	s5 =	simm.s32 $0xFFFFFFFF;
	p2 =	slt.u32 s8, $0xFFFFF086  }
0x1c: {  	p1 =	slt.u32 s9, $0xF7A;
	s5 =	simm.s32 @!p2 $0x0  }
0x1d: {  	s5 =	simm.s32 @p1 $0x1;
	p0 =	seq.s32 s7, s2  }
0x1e: {  	s7 =	smul.u32 @!p0 $0xF7A, s2;
	p2 =	seq.s32 @!p0 s5, $0x0  }
0x1f: {  	s9 =	smul.u32 $0xF7A, s1;
	s8 =	simm.s32 @!p0 $0x1BF5;
	p2 =	por !p2, p0  }
0x20: {  	[sflag:s8] =	ssyncset.s32 @!p0 $0xFFFFF086;
	s6 =	sadd.s32 @!p0 s3, s7;
	s7 =	simm.s32 @!p0 $0x108  }
0x21: {  	s3 =	sadd.s32 s3, s9;
	s6 =	sadd.s32 @!p0 $0x88, s6;
	s7 =	simm.s32 @p2 $0x1082  }
0x22: {  	[simem:s7], [sflag:s8] =	dma.local @!p0 [hbm:s6], $0xF7A  }
0x23: {  	s9 =	sor.u32 $0xD0000000, s2;
	s6 =	simm.s32 $0x108;
	_ =	swait.ge @!p0 [sflag:s8], $0x0  }
0x24: {  	s3 =	sadd.s32 $0x88, s3;
	s6 =	simm.s32 @!p1 $0x1082;
	[sflag:s4] =	ssyncset.s32 $0xFFFFF086  }
0x25: {  	[simem:s6], [sflag:s4] =	dma.local [hbm:s3], $0xF7A  }
0x26: {  	[smem:$0x3F9D] =	sst s1;
	(tag) =	ssettag s2;
	_ =	strace s9  }
0x27: {  	s1 =	sld [smem:$0x3FAD]  }
0x28: {  	s2 =	sld [smem:$0x3FAE]  }
0x29: {  	s4 =	sld [smem:$0x3FB0]  }
0x2a: {  	p0 =	seq.s32 s5, $0x0;
	s5 =	sld [smem:$0x3FB1]  }
0x2b: {  	s6 =	sld [smem:$0x3FB2]  }
0x2c: {  	s7 =	sld [smem:$0x3FB3]  }
0x2d: {  	s3 =	simm.s32 $0x108;
	s8 =	sld [smem:$0x3FB4]  }
0x2e: {  	s3 =	simm.s32 @!p0 $0x1082;
	s9 =	sld [smem:$0x3FB5]  }
0x2f: {  	lr =	sadd.s32 s0, s3;
	s0 =	sld [smem:$0x3FAC]  }
0x30: {  	s3 =	sld [smem:$0x3FAF]  }
0x31: {  	[smem:$0x3FB8] =	sst s10  }
0x32: {  	s10 =	sld [smem:$0x3FB6];
	_ =	sdelay $0x3  }
0x33: {  	p0 =	seq.s32 s10, $0x1;
	s10 =	sld [smem:$0x3FB8];
	_ =	sdelay $0x3  }
0x34: {  	[smem:$0x3FB8] =	sst s10  }
0x35: {  	s10 =	sld [smem:$0x3FB7];
	_ =	sdelay $0x3  }
0x36: {  	p1 =	seq.s32 s10, $0x1;
	s10 =	sld [smem:$0x3FB8];
	_ =	sdelay $0x3  }
0x37: {  	[smem:$0x3FB8] =	sst s10  }
0x38: {  	s10 =	sld [smem:$0x3FB9]  }
0x39: {  	_ = 	snop;
	(pc) =	sbr.ind lr, $3  }
0x3a: {  	_ = 	snop  }
0x3b: {  	_ = 	snop  }
0x3c: {  	p2 =	seq.s32 s10, $0x1;
	s10 =	sld [smem:$0x3FB8]  }
0x3d: {  	_ =	shalt  }
0x3e: {  	_ =	shalt  }
0x3f: {  	_ =	shalt  }
0x40: {  	_ =	shalt  }
0x41: {  	_ =	shalt  }
0x42: {  	_ =	shalt  }
0x43: {  	_ =	shalt  }
0x44: {  	_ =	shalt  }
0x45: {  	_ =	shalt  }
0x46: {  	_ =	shalt  }
0x47: {  	_ =	shalt  }
0x48: {  	_ =	shalt  }
0x49: {  	_ =	shalt  }
0x4a: {  	_ =	shalt  }
0x4b: {  	_ =	shalt  }
0x4c: {  	_ =	shalt  }
0x4d: {  	_ =	shalt  }
0x4e: {  	_ =	shalt  }
0x4f: {  	_ =	shalt  }
0x50: {  	_ =	shalt  }
0x51: {  	_ =	shalt  }
0x52: {  	_ =	shalt  }
0x53: {  	_ =	shalt  }
0x54: {  	_ =	shalt  }
0x55: {  	_ =	shalt  }
0x56: {  	_ =	shalt  }
0x57: {  	_ =	shalt  }
0x58: {  	_ =	shalt  }
0x59: {  	_ =	shalt  }
0x5a: {  	_ =	shalt  }
0x5b: {  	_ =	shalt  }
0x5c: {  	_ =	shalt  }
0x5d: {  	_ =	shalt  }
0x5e: {  	_ =	shalt  }
0x5f: {  	_ =	shalt  }
0x60: {  	_ =	shalt  }
0x61: {  	_ =	shalt  }
0x62: {  	_ =	shalt  }
0x63: {  	_ =	shalt  }
0x64: {  	_ =	shalt  }
0x65: {  	_ =	shalt  }
0x66: {  	_ =	shalt  }
0x67: {  	_ =	shalt  }
0x68: {  	_ =	shalt  }
0x69: {  	_ =	shalt  }
0x6a: {  	_ =	shalt  }
0x6b: {  	_ =	shalt  }
0x6c: {  	_ =	shalt  }
0x6d: {  	_ =	shalt  }
0x6e: {  	_ =	shalt  }
0x6f: {  	_ =	shalt  }
0x70: {  	_ =	shalt  }
0x71: {  	_ =	shalt  }
0x72: {  	_ =	shalt  }
0x73: {  	_ =	shalt  }
0x74: {  	_ =	shalt  }
0x75: {  	_ =	shalt  }
0x76: {  	_ =	shalt  }
0x77: {  	_ =	shalt  }
0x78: {  	_ =	shalt  }
0x79: {  	_ =	shalt  }
0x7a: {  	_ =	shalt  }
0x7b: {  	_ =	shalt  }
0x7c: {  	_ =	shalt  }
0x7d: {  	_ =	shalt  }
0x7e: {  	_ =	shalt  }
0x7f: {  	_ =	shalt  }
0x80: {  	_ =	shalt  }
0x81: {  	_ =	shalt  }
0x82: {  	_ =	shalt  }
0x83: {  	_ =	shalt  }
0x84: {  	_ =	shalt  }
0x85: {  	_ =	shalt  }
0x86: {  	_ =	shalt  }
0x87: {  	_ =	shalt  }
.Lfunc_end0:
.L_simem_size_0:
called_computation.1_lowered:
.L_overlay_start_0:
0x88: {  	s2 =	sld [smem:$0x3FD9]  }
0x89: {  	s3 =	sld [smem:$0x3FFE];
	_ =	sdelay $0x1  }
0x8a: {  	s1 =	srdreg.scid  }
0x8b: {  	s0 =	sand.u32 $0x1, s1  }
0x8c: {  	s14 =	sshll.u32 s0, $0xA;
	s2 =	sadd.s32 s3, s2  }
0x8d: {  	s2 =	sadd.s32 s2, s14  }
0x8e: {  	[smem:$0x3FC4] =	sst s2  }
0x8f: {  	_ = 	snop  }
0x90: {  	s2 =	sld [smem:$0x3FD0];
	_ =	sdelay $0x2  }
0x91: {  	s15 =	simm.s32 $0xA;
	s4 =	simm.s32 $0x10  }
0x92: {  	[smem:s4], [sflag:s15] =	dma.local [hbm:s2], $0x1  }
0x93: {  	_ =	swait.eq [sflag:s15], $0x1  }
0x94: {  	[sflag:s15] =	ssyncset.done $0x0  }
0x95: {  	[sflag:s15] =	ssyncadd.s32 $0xFFFFFFFF  }
0x96: {  	s16 =	sld [smem:$0x10];
	(tm) =	ssettm $0x1  }
0x97: {  	s17 =	sld [smem:$0x3FFB];
	_ =	sdelay $0x3  }
0x98: {  	_ =	strace s17  }
0x99: {  	s3 =	sld [smem:$0x3FFC];
	_ =	sdelay $0x3  }
0x9a: {  	_ =	strace s3  }
0x9b: {  	s3 =	sld [smem:$0x3FFD];
	_ =	sdelay $0x3  }
0x9c: {  	_ =	strace s3  }
0x9d: {  	_ =	strace $0x8FFFFFFF  }
0x9e: {  	s18 =	sld [smem:$0x3FDB];
	_ =	sdelay $0x1  }
0x9f: {  	s19 =	simm.s32 $_scs_section_size  }
0xa0: {  	s5 =	simm.s32 $_size__tile_overlayer_lowered;
	s6 =	simm.s32 $_tile_overlayer_lowered  }
0xa1: {  	s22 =	simm.s32 $0x1BFF;
	s21 =	sshll.u32 s6, $0x1;
	s3 =	sadd.s32 s19, s18  }
0xa2: {  	s7 =	simm.s32 $0x0;
	s20 =	sshll.u32 s5, $0x1;
	s5 =	sadd.s32 s21, s3  }
0xa3: {  	[timem:s7], [sflag:s22] =	dma.local [hbm:s5], s20  }
0xa4: {  	_ =	swait.ge [sflag:s22], s20  }
0xa5: {  	s4 =	ssub.s32 $0x0, s20;
	[sflag:s22] =	ssyncset.done $0x0  }
0xa6: {  	[sflag:s22] =	ssyncadd.s32 s4;
	_ =	sdelay $0x1  }
0xa7: {  	s23 =	simm.s32 $0x1B8B  }
0xa8: {  	_ =	swait.ge [sflag:s23], $0x1  }
0xa9: {  	[sflag:s23] =	ssyncset.done $0x0  }
0xaa: {  	s25 =	simm.s32 $0x1B8E;
	s24 =	sld [smem:$0x3FFE];
	[sflag:s23] =	ssyncadd.s32 $0xFFFFFFFF  }
0xab: {  	s26 =	simm.s32 $execute0_lowered;
	[smem:$0x3FD2] =	sst s25  }
0xac: {  	s5 =	sshll.u32 s26, $0x1;
	_ =	strace $0x80000049;
	[dreg:$0x1] =	wrdreg $0xFFFFFFFF  }
0xad: {  	s28 =	simm.s32 $_size_execute0_lowered;
	s3 =	sadd.s32 s3, s5;
	[dreg:$0x0] =	wrdreg $0x0  }
0xae: {  	s5 =	sshll.u32 s28, $0x1;
	[dreg:$0x2] =	wrdreg s3  }
0xaf: {  	[dreg:$0x3] =	wrdreg s5  }
0xb0: {  	[dreg:$0x4] =	wrdreg $0xC0  }
0xb1: {  	_ =	task [dreg:s7], $0x5FFFF  }
0xb2: {  	[dreg:$0x1] =	wrdreg $0xFFFFFFFF  }
0xb3: {  	[dreg:$0x0] =	wrdreg $0x60  }
0xb4: {  	[dreg:$0x2] =	wrdreg s16  }
0xb5: {  	[dreg:$0x3] =	wrdreg s24  }
0xb6: {  	[dreg:$0x4] =	wrdreg $0x0  }
0xb7: {  	[dreg:$0x5] =	wrdreg $0x9  }
0xb8: {  	_ =	task.clear_ibuf [dreg:s7], $0x6FFFF;
	_ =	strace $0x90000049  }
0xb9: {  	s29 =	simm.s32 $0x9;
	_ =	strace $0x8000004B  }
0xba: {  	_ =	swait.ge [sflag:s29], $0x1  }
0xbb: {  	[sflag:s29] =	ssyncadd.s32 $0xFFFFFFFF  }
0xbc: {  	_ =	strace $0x9000004B  }
0xbd: {  	_ =	sfence  }
0xbe: {  	s30 =	sld [smem:$0x0];
	_ =	sdelay $0x2  }
0xbf: {  	s31 =	sshll.u32 s1, $0xD;
	s1 =	sshrl.u32 s1, $0x2  }
0xc0: {  	s3 =	sand.u32 $0x4000, s31;
	s1 =	sadd.s32 s1, s30  }
0xc1: {  	s0 =	sor.u32 s3, s0;
	s1 =	sshll.u32 s1, $0x11  }
0xc2: {  	s0 =	sor.u32 s1, s0  }
0xc3: {  	s0 =	sadd.s32 $0x8F2B, s0  }
0xc4: {  	[sflag:s0] =	ssyncadd.remote.s32 $0x1  }
0xc5: {  	_ =	sfence.sel $0xFFFF  }
0xc6: {  	[dreg:$0x0] =	wrdreg $0xFFFFFFFF;
	(pc) =	sbr.abs _section_cstart, $3  }
0xc7: {  	[dreg:$0x1] =	wrdreg $0xFFFFFFFF  }
0xc8: {  	_ =	task.clear_ibuf [dreg:s7], $0x2FFFF;
	_ =	strace $0x9FFFFFFF  }
0xc9: {  	(tm) =	ssettm $0x7FFFFFFF  }
tec
execute0_lowered:
.L_overlay_start_1:
0x0: {  	(tag) =	ssettag $0x1  }
0x1: {  	s1 =	rddreg [dreg:$0x0]  }
0x2: {  	s0 =	rddreg [dreg:$0x1]  }
0x3: {  	s3 =	rddreg [dreg:$0x2]  }
0x4: {  	s2 =	srdreg.scid;
	s7 =	stileid.u32  }
0x5: {  	s8 =	simm.s32 $0x0;
	s28 =	simm.s32 $0x15000;
	s29 =	simm.s32 $0x14E00  }
0x6: {  	s30 =	simm.s32 $0x19000;
	s31 =	simm.s32 $0x1;
	s9 =	simm.s32 $0x14F80  }
0x7: {  	s10 =	simm.s32 $0x10;
	s11 =	simm.s32 $0x1D000;
	s12 =	simm.s32 $0x0  }
0x8: {  	s2 =	sand.u32 $0x1, s2;
	s5 =	smul.u32 $0x14000, s7;
	[smem:$0x7FF] =	sst s8  }
0x9: {  	s4 =	smul.u32 $0x140000, s2;
	s6 =	sshll.u32 s2, $0x4;
	_ =	strace $0x8000004A  }
0xa: {  	s2 =	ssub.s32 $0x2, s2;
	s6 =	sor.u32 s7, s6;
	s7 =	smul.u32 $0x50000, s7  }
0xb: {  	s17 =	sshrl.u32 s2, $0x1;
	s4 =	sadd.s32 s5, s4;
	s5 =	smul.u32 $0x2710, s6  }
0xc: {  	s6 =	sadd.s32 $0x800, s0;
	s2 =	ssub.s32 s2, s17;
	s4 =	sshrl.u32 s4, $0x3  }
0xd: {  	s7 =	sshrl.u32 s7, $0x2;
	s19 =	smax.u32 s2, $0x1;
	s0 =	sadd.s32 s4, s0  }
0xe: {  	s7 =	sadd.s32 s7, s3;
	[dreg:$0x7] =	wrdreg s19;
	s0 =	sadd.s32 $0x14200, s0  }
0xf: {  	s8 =	simm.s32 $0x14F00;
	s20 =	sadd.s32 $0x2000, s7;
	[dreg:$0x6] =	wrdreg s0  }
0x10: {  	s2 =	simm.s32 $0x2;
	s21 =	sadd.s32 $0x4000, s7;
	[dreg:$0x8] =	wrdreg s20  }
0x11: {  	s16 =	sshrl.u32 s5, $0x3;
	s22 =	sadd.s32 $0x6000, s7;
	[dreg:$0x9] =	wrdreg s21  }
0x12: {  	s4 =	sadd.s32 s6, s16;
	s23 =	sadd.s32 $0x8000, s7;
	[dreg:$0xa] =	wrdreg s22  }
0x13: {  	s24 =	sadd.s32 $0xA000, s7;
	s25 =	sadd.s32 $0xC000, s7;
	[dreg:$0xb] =	wrdreg s23  }
0x14: {  	s26 =	sadd.s32 $0xE000, s7;
	s19 =	sadd.s32 $0x10000, s7;
	[dreg:$0xc] =	wrdreg s24  }
0x15: {  	s18 =	sadd.s32 $0x4E0, s4;
	s4 =	sadd.s32 $0xA120, s4;
	[dreg:$0xd] =	wrdreg s25  }
0x16: {  	[dreg:$0xe] =	wrdreg s26;
	s20 =	sadd.s32 $0x12000, s7;
	s21 =	simm.s32 $0x1D800  }
0x17: {  	s22 =	simm.s32 $0x3;
	s23 =	simm.s32 $0x14000;
	s24 =	simm.s32 $0x14680  }
0x18: {  	s25 =	simm.s32 $0x80;
	s26 =	simm.s32 $0x14D00;
	[dreg:$0x4] =	wrdreg s18  }
0x19: {  	v0 =	vimm.f32 $0.0e+00;
	s0 =	simm.s32 $0x14D80;
	[dreg:$0x5] =	wrdreg s4;
	s4 =	simm.s32 $0x14E80  }
.LBB2_1:
0x1a: {  	s13 =	simm.s32 $0x0;
	s14 =	simm.s32 $0x200  }
.LBB2_2:
0x1b: {  	p0 =	sne.s32 s14, $0x7E00;
	[tilespmem:s13+$0x1D870] =	vst v0  }
0x1c: {  	[tilespmem:s13+$0x1D800] =	vst v0  }
0x1d: {  	[tilespmem:s13+$0x1D810] =	vst v0  }
.Ltmp0:
0x1e: {  	[tilespmem:s13+$0x1D820] =	vst v0;
	(pc) =	sbr.rel @p0 .LBB2_2-.Ltmp0, $4  }
0x1f: {  	[tilespmem:s13+$0x1D830] =	vst v0  }
0x20: {  	[tilespmem:s13+$0x1D840] =	vst v0  }
0x21: {  	[tilespmem:s13+$0x1D850] =	vst v0  }
0x22: {  	[tilespmem:s13+$0x1D860] =	vst v0;
	s13 =	sshra.s32 s14, $0x2;
	s14 =	sadd.s32 $0x200, s14  }
0x23: {  	[tilespmem:s13+$0x1D870] =	vst v0  }
0x24: {  	[tilespmem:s13+$0x1D800] =	vst v0  }
0x25: {  	[tilespmem:s13+$0x1D810] =	vst v0  }
0x26: {  	[tilespmem:s13+$0x1D820] =	vst v0  }
0x27: {  	[tilespmem:s13+$0x1D830] =	vst v0  }
0x28: {  	[tilespmem:s13+$0x1D840] =	vst v0  }
0x29: {  	[tilespmem:s13+$0x1D850] =	vst v0  }
0x2a: {  	[tilespmem:s13+$0x1D860] =	vst v0  }
0x2b: {  	[spmem:s7] =	stream.linear.scatter [tilespmem:s21], [sflag:$0x3], $0x2000, $0x38;
	[tilespmem:$0x1F800] =	vst v63  }
0x2c: {  	_ =	swait.ge [sflag:s22], $0x2000  }
0x2d: {  	[sflag:s22] =	ssyncset.done $0x0  }
0x2e: {  	s17 =	rddreg [dreg:$0x8];
	[sflag:s22] =	ssyncadd.s32 $0xFFFFE000  }
0x2f: {  	[spmem:s17] =	stream.linear.scatter [tilespmem:s21], [sflag:$0x3], $0x2000, $0x38;
	[tilespmem:$0x1F800] =	vst v63  }
0x30: {  	_ =	swait.ge [sflag:s22], $0x2000  }
0x31: {  	[sflag:s22] =	ssyncset.done $0x0  }
0x32: {  	s18 =	rddreg [dreg:$0x9];
	[sflag:s22] =	ssyncadd.s32 $0xFFFFE000  }
0x33: {  	[spmem:s18] =	stream.linear.scatter [tilespmem:s21], [sflag:$0x3], $0x2000, $0x38;
	[tilespmem:$0x1F800] =	vst v63  }
0x34: {  	_ =	swait.ge [sflag:s22], $0x2000  }
0x35: {  	[sflag:s22] =	ssyncset.done $0x0  }
0x36: {  	s14 =	rddreg [dreg:$0xa];
	[sflag:s22] =	ssyncadd.s32 $0xFFFFE000  }
0x37: {  	[spmem:s14] =	stream.linear.scatter [tilespmem:s21], [sflag:$0x3], $0x2000, $0x38;
	[tilespmem:$0x1F800] =	vst v63  }
0x38: {  	_ =	swait.ge [sflag:s22], $0x2000  }
0x39: {  	[sflag:s22] =	ssyncset.done $0x0  }
0x3a: {  	s15 =	rddreg [dreg:$0xb];
	[sflag:s22] =	ssyncadd.s32 $0xFFFFE000  }
0x3b: {  	[spmem:s15] =	stream.linear.scatter [tilespmem:s21], [sflag:$0x3], $0x2000, $0x38;
	[tilespmem:$0x1F800] =	vst v63  }
0x3c: {  	_ =	swait.ge [sflag:s22], $0x2000  }
0x3d: {  	[sflag:s22] =	ssyncset.done $0x0  }
0x3e: {  	s16 =	rddreg [dreg:$0xc];
	[sflag:s22] =	ssyncadd.s32 $0xFFFFE000  }
0x3f: {  	[spmem:s16] =	stream.linear.scatter [tilespmem:s21], [sflag:$0x3], $0x2000, $0x38;
	[tilespmem:$0x1F800] =	vst v63  }
0x40: {  	_ =	swait.ge [sflag:s22], $0x2000  }
0x41: {  	[sflag:s22] =	ssyncset.done $0x0  }
0x42: {  	s17 =	rddreg [dreg:$0xd];
	[sflag:s22] =	ssyncadd.s32 $0xFFFFE000  }
0x43: {  	[spmem:s17] =	stream.linear.scatter [tilespmem:s21], [sflag:$0x3], $0x2000, $0x38;
	[tilespmem:$0x1F800] =	vst v63  }
0x44: {  	_ =	swait.ge [sflag:s22], $0x2000  }
0x45: {  	[sflag:s22] =	ssyncset.done $0x0  }
0x46: {  	s18 =	rddreg [dreg:$0xe];
	[sflag:s22] =	ssyncadd.s32 $0xFFFFE000  }
0x47: {  	[spmem:s18] =	stream.linear.scatter [tilespmem:s21], [sflag:$0x3], $0x2000, $0x38;
	[tilespmem:$0x1F800] =	vst v63  }
0x48: {  	_ =	swait.ge [sflag:s22], $0x2000  }
0x49: {  	[sflag:s22] =	ssyncset.done $0x0  }
0x4a: {  	[sflag:s22] =	ssyncadd.s32 $0xFFFFE000  }
0x4b: {  	[spmem:s19] =	stream.linear.scatter [tilespmem:s21], [sflag:$0x3], $0x2000, $0x38;
	[tilespmem:$0x1F800] =	vst v63  }
0x4c: {  	_ =	swait.ge [sflag:s22], $0x2000  }
0x4d: {  	[sflag:s22] =	ssyncset.done $0x0  }
0x4e: {  	[sflag:s22] =	ssyncadd.s32 $0xFFFFE000  }
0x4f: {  	[spmem:s20] =	stream.linear.scatter [tilespmem:s21], [sflag:$0x3], $0x2000, $0x38;
	[tilespmem:$0x1F800] =	vst v63  }
0x50: {  	_ =	swait.ge [sflag:s22], $0x2000  }
0x51: {  	[sflag:s22] =	ssyncset.done $0x0  }
0x52: {  	[sflag:s22] =	ssyncadd.s32 $0xFFFFE000  }
0x53: {  	s13 =	simm.s32 $0x0;
	s14 =	simm.s32 $0x0;
	[bflag:$0x0] =	sbarrier.arrive $0xFFFF  }
.LBB2_4:
0x54: {  	s15 =	smul.u32 $0x680, s14;
	_ =	sdelay $0x1  }
0x55: {  	s15 =	sadd.s32 s5, s15  }
0x56: {  	s15 =	sshrl.u32 s15, $0x3  }
0x57: {  	s15 =	sadd.s32 s6, s15  }
0x58: {  	[tilespmem:s23], [sflag:$0x3] =	stream.linear.gather [hbm4b:s15+s13], $0x680, $0x38;
	[tilespmem:$0x1F800] =	vst v63  }
0x59: {  	_ =	swait.ge [sflag:s22], $0x680  }
0x5a: {  	[sflag:s22] =	ssyncset.done $0x0  }
0x5b: {  	s15 =	sadd.s32 $0x9C40, s15;
	[sflag:s22] =	ssyncadd.s32 $0xFFFFF980  }
0x5c: {  	[tilespmem:s24], [sflag:$0x3] =	stream.linear.gather [hbm4b:s15+s13], $0x680, $0x38;
	[tilespmem:$0x1F800] =	vst v63  }
0x5d: {  	_ =	swait.ge [sflag:s22], $0x680  }
0x5e: {  	[sflag:s22] =	ssyncset.done $0x0  }
0x5f: {  	[sflag:s22] =	ssyncadd.s32 $0xFFFFF980  }
0x60: {  	v1 =	vld [tilespmem:$0x14000]  }
0x61: {  	v2 =	vld [tilespmem:$0x14680]  }
0x62: {  	v3 =	vld [tilespmem:$0x14010]  }
0x63: {  	v4 =	vld [tilespmem:$0x14690]  }
0x64: {  	v5 =	vld [tilespmem:$0x14020]  }
0x65: {  	[tilespmem:$0x14D00] =	vst v1;
	v1 =	vld [tilespmem:$0x146A0]  }
0x66: {  	v60 =	vld [tilespmem:$0x14040];
	[tilespmem:$0x14D80] =	vst v2  }
0x67: {  	v61 =	vld [tilespmem:$0x146C0];
	[tilespmem:$0x14D10] =	vst v3  }
0x68: {  	v2 =	vld [tilespmem:$0x14030];
	[tilespmem:$0x14D90] =	vst v4  }
0x69: {  	v3 =	vld [tilespmem:$0x146B0];
	[tilespmem:$0x14D20] =	vst v5  }
0x6a: {  	[tilespmem:$0x14DA0] =	vst v1;
	v1 =	vld [tilespmem:$0x14050]  }
0x6b: {  	v62 =	vld [tilespmem:$0x146E0];
	[tilespmem:$0x14D40] =	vst v60  }
0x6c: {  	v63 =	vld [tilespmem:$0x14070];
	[tilespmem:$0x14DC0] =	vst v61  }
0x6d: {  	[tilespmem:$0x14D30] =	vst v2;
	v2 =	vld [tilespmem:$0x146D0]  }
0x6e: {  	[tilespmem:$0x14DB0] =	vst v3;
	v3 =	vld [tilespmem:$0x14060]  }
0x6f: {  	[tilespmem:$0x14D50] =	vst v1;
	v1 =	vld [tilespmem:$0x146F0]  }
0x70: {  	[tilespmem:$0x14DE0] =	vst v62  }
0x71: {  	[tilespmem:$0x14D70] =	vst v63  }
0x72: {  	[tilespmem:$0x14DD0] =	vst v2  }
0x73: {  	[tilespmem:$0x14D60] =	vst v3  }
0x74: {  	s18 =	simm.s32 $0x0;
	[tilespmem:$0x14DF0] =	vst v1  }
0x75: {  	[tilespmem:s28], [sflag:$0x1] =	stream.indirect.gather [hbm4b:s1+s25], $0x80, s26, s25, $0xb8;
	[tilespmem:$0x1F800] =	vst v63  }
0x76: {  	v1 =	vld [tilespmem:s18+$0x14080];
	_ =	sdelay $0x4  }
0x77: {  	[tilespmem:$0x14E00] =	vst v1  }
0x78: {  	v1 =	vld [tilespmem:s18+$0x14700];
	_ =	sdelay $0x4  }
0x79: {  	[tilespmem:$0x14E80] =	vst v1  }
0x7a: {  	v1 =	vld [tilespmem:s18+$0x14090];
	_ =	sdelay $0x4  }
0x7b: {  	[tilespmem:$0x14E10] =	vst v1  }
0x7c: {  	v1 =	vld [tilespmem:s18+$0x14710];
	_ =	sdelay $0x4  }
0x7d: {  	[tilespmem:$0x14E90] =	vst v1  }
0x7e: {  	v1 =	vld [tilespmem:s18+$0x140A0];
	_ =	sdelay $0x4  }
0x7f: {  	[tilespmem:$0x14E20] =	vst v1  }
0x80: {  	v1 =	vld [tilespmem:s18+$0x14720];
	_ =	sdelay $0x4  }
0x81: {  	[tilespmem:$0x14EA0] =	vst v1  }
0x82: {  	v1 =	vld [tilespmem:s18+$0x140B0];
	_ =	sdelay $0x4  }
0x83: {  	[tilespmem:$0x14E30] =	vst v1  }
0x84: {  	v1 =	vld [tilespmem:s18+$0x14730];
	_ =	sdelay $0x4  }
0x85: {  	[tilespmem:$0x14EB0] =	vst v1  }
0x86: {  	v1 =	vld [tilespmem:s18+$0x140C0];
	_ =	sdelay $0x4  }
0x87: {  	[tilespmem:$0x14E40] =	vst v1  }
0x88: {  	v1 =	vld [tilespmem:s18+$0x14740];
	_ =	sdelay $0x4  }
0x89: {  	[tilespmem:$0x14EC0] =	vst v1  }
0x8a: {  	v1 =	vld [tilespmem:s18+$0x140D0];
	_ =	sdelay $0x4  }
0x8b: {  	[tilespmem:$0x14E50] =	vst v1  }
0x8c: {  	v1 =	vld [tilespmem:s18+$0x14750];
	_ =	sdelay $0x4  }
0x8d: {  	[tilespmem:$0x14ED0] =	vst v1  }
0x8e: {  	v1 =	vld [tilespmem:s18+$0x140E0];
	_ =	sdelay $0x4  }
0x8f: {  	[tilespmem:$0x14E60] =	vst v1  }
0x90: {  	v1 =	vld [tilespmem:s18+$0x14760];
	_ =	sdelay $0x4  }
0x91: {  	[tilespmem:$0x14EE0] =	vst v1  }
0x92: {  	v1 =	vld [tilespmem:s18+$0x140F0];
	_ =	sdelay $0x4  }
0x93: {  	[tilespmem:$0x14E70] =	vst v1  }
0x94: {  	v1 =	vld [tilespmem:s18+$0x14770];
	_ =	sdelay $0x4  }
0x95: {  	[tilespmem:$0x14EF0] =	vst v1  }
0x96: {  	[tilespmem:s30], [sflag:$0x2] =	stream.indirect.gather [hbm4b:s1+s25], $0x80, s29, s25, $0xb8;
	[tilespmem:$0x1F800] =	vst v63  }
0x97: {  	_ =	swait.ge [sflag:s31], $0x4000  }
0x98: {  	[sflag:s31] =	ssyncset.done $0x0  }
0x99: {  	[sflag:s31] =	ssyncadd.s32 $0xFFFFC000  }
0x9a: {  	[spmem:s3] =	stream.indirect.scatter.add.f32 [tilespmem:s28], [sflag:$0x3], $0x80, s0, s25, $0xb8;
	[tilespmem:$0x1F800] =	vst v63  }
0x9b: {  	_ =	swait.ge [sflag:s22], $0x4000  }
0x9c: {  	[sflag:s22] =	ssyncset.done $0x0  }
0x9d: {  	[sflag:s22] =	ssyncadd.s32 $0xFFFFC000  }
0x9e: {  	v1 =	vld [tilespmem:s18+$0x14100];
	_ =	sdelay $0x4  }
0x9f: {  	[tilespmem:$0x14D00] =	vst v1  }
0xa0: {  	v1 =	vld [tilespmem:s18+$0x14780];
	_ =	sdelay $0x4  }
0xa1: {  	[tilespmem:$0x14D80] =	vst v1  }
0xa2: {  	v1 =	vld [tilespmem:s18+$0x14110];
	_ =	sdelay $0x4  }
0xa3: {  	[tilespmem:$0x14D10] =	vst v1  }
0xa4: {  	v1 =	vld [tilespmem:s18+$0x14790];
	_ =	sdelay $0x4  }
0xa5: {  	[tilespmem:$0x14D90] =	vst v1  }
0xa6: {  	v1 =	vld [tilespmem:s18+$0x14120];
	_ =	sdelay $0x4  }
0xa7: {  	[tilespmem:$0x14D20] =	vst v1  }
0xa8: {  	v1 =	vld [tilespmem:s18+$0x147A0];
	_ =	sdelay $0x4  }
0xa9: {  	[tilespmem:$0x14DA0] =	vst v1  }
0xaa: {  	v1 =	vld [tilespmem:s18+$0x14130];
	_ =	sdelay $0x4  }
0xab: {  	[tilespmem:$0x14D30] =	vst v1  }
0xac: {  	v1 =	vld [tilespmem:s18+$0x147B0];
	_ =	sdelay $0x4  }
0xad: {  	[tilespmem:$0x14DB0] =	vst v1  }
0xae: {  	v1 =	vld [tilespmem:s18+$0x14140];
	_ =	sdelay $0x4  }
0xaf: {  	[tilespmem:$0x14D40] =	vst v1  }
0xb0: {  	v1 =	vld [tilespmem:s18+$0x147C0];
	_ =	sdelay $0x4  }
0xb1: {  	[tilespmem:$0x14DC0] =	vst v1  }
0xb2: {  	v1 =	vld [tilespmem:s18+$0x14150];
	_ =	sdelay $0x4  }
0xb3: {  	[tilespmem:$0x14D50] =	vst v1  }
0xb4: {  	v1 =	vld [tilespmem:s18+$0x147D0];
	_ =	sdelay $0x4  }
0xb5: {  	[tilespmem:$0x14DD0] =	vst v1  }
0xb6: {  	v1 =	vld [tilespmem:s18+$0x14160];
	_ =	sdelay $0x4  }
0xb7: {  	[tilespmem:$0x14D60] =	vst v1  }
0xb8: {  	v1 =	vld [tilespmem:s18+$0x147E0];
	_ =	sdelay $0x4  }
0xb9: {  	[tilespmem:$0x14DE0] =	vst v1  }
0xba: {  	v1 =	vld [tilespmem:s18+$0x14170];
	_ =	sdelay $0x4  }
0xbb: {  	[tilespmem:$0x14D70] =	vst v1  }
0xbc: {  	v1 =	vld [tilespmem:s18+$0x147F0];
	_ =	sdelay $0x4  }
0xbd: {  	[tilespmem:$0x14DF0] =	vst v1  }
0xbe: {  	[tilespmem:s28], [sflag:$0x1] =	stream.indirect.gather [hbm4b:s1+s25], $0x80, s26, s25, $0xb8;
	[tilespmem:$0x1F800] =	vst v63  }
0xbf: {  	_ =	swait.ge [sflag:s2], $0x4000  }
0xc0: {  	[sflag:s2] =	ssyncset.done $0x0  }
0xc1: {  	[sflag:s2] =	ssyncadd.s32 $0xFFFFC000  }
0xc2: {  	[spmem:s3] =	stream.indirect.scatter.add.f32 [tilespmem:s30], [sflag:$0x3], $0x80, s4, s25, $0xb8;
	[tilespmem:$0x1F800] =	vst v63  }
0xc3: {  	_ =	swait.ge [sflag:s22], $0x4000  }
0xc4: {  	s16 =	simm.s32 $0x800;
	s15 =	simm.s32 $0x400;
	[sflag:s22] =	ssyncset.done $0x0  }
.LBB2_5:
0xc5: {  	s17 =	sshra.s32 s15, $0x2  }
0xc6: {  	[sflag:s22] =	ssyncadd.s32 $0xFFFFC000;
	s15 =	smov.u32 s16;
	s18 =	sadd.s32 $0x400, s16  }
0xc7: {  	p0 =	sne.s32 s16, $0x1400;
	v1 =	vld [tilespmem:s17+$0x14080];
	_ =	sdelay $0x4  }
0xc8: {  	[tilespmem:$0x14E00] =	vst v1  }
0xc9: {  	v1 =	vld [tilespmem:s17+$0x14700];
	_ =	sdelay $0x4  }
0xca: {  	[tilespmem:$0x14E80] =	vst v1  }
0xcb: {  	v1 =	vld [tilespmem:s17+$0x14090];
	_ =	sdelay $0x4  }
0xcc: {  	[tilespmem:$0x14E10] =	vst v1  }
0xcd: {  	v1 =	vld [tilespmem:s17+$0x14710];
	_ =	sdelay $0x4  }
0xce: {  	[tilespmem:$0x14E90] =	vst v1  }
0xcf: {  	v1 =	vld [tilespmem:s17+$0x140A0];
	_ =	sdelay $0x4  }
0xd0: {  	[tilespmem:$0x14E20] =	vst v1  }
0xd1: {  	v1 =	vld [tilespmem:s17+$0x14720];
	_ =	sdelay $0x4  }
0xd2: {  	[tilespmem:$0x14EA0] =	vst v1  }
0xd3: {  	v1 =	vld [tilespmem:s17+$0x140B0];
	_ =	sdelay $0x4  }
0xd4: {  	[tilespmem:$0x14E30] =	vst v1  }
0xd5: {  	v1 =	vld [tilespmem:s17+$0x14730];
	_ =	sdelay $0x4  }
0xd6: {  	[tilespmem:$0x14EB0] =	vst v1  }
0xd7: {  	v1 =	vld [tilespmem:s17+$0x140C0];
	_ =	sdelay $0x4  }
0xd8: {  	[tilespmem:$0x14E40] =	vst v1  }
0xd9: {  	v1 =	vld [tilespmem:s17+$0x14740];
	_ =	sdelay $0x4  }
0xda: {  	[tilespmem:$0x14EC0] =	vst v1  }
0xdb: {  	v1 =	vld [tilespmem:s17+$0x140D0];
	_ =	sdelay $0x4  }
0xdc: {  	[tilespmem:$0x14E50] =	vst v1  }
0xdd: {  	v1 =	vld [tilespmem:s17+$0x14750];
	_ =	sdelay $0x4  }
0xde: {  	[tilespmem:$0x14ED0] =	vst v1  }
0xdf: {  	v1 =	vld [tilespmem:s17+$0x140E0];
	_ =	sdelay $0x4  }
0xe0: {  	[tilespmem:$0x14E60] =	vst v1  }
0xe1: {  	v1 =	vld [tilespmem:s17+$0x14760];
	_ =	sdelay $0x4  }
0xe2: {  	[tilespmem:$0x14EE0] =	vst v1  }
0xe3: {  	v1 =	vld [tilespmem:s17+$0x140F0];
	_ =	sdelay $0x4  }
0xe4: {  	[tilespmem:$0x14E70] =	vst v1  }
0xe5: {  	v1 =	vld [tilespmem:s17+$0x14770];
	_ =	sdelay $0x4  }
0xe6: {  	[tilespmem:$0x14EF0] =	vst v1  }
0xe7: {  	[tilespmem:s30], [sflag:$0x2] =	stream.indirect.gather [hbm4b:s1+s25], $0x80, s29, s25, $0xb8;
	[tilespmem:$0x1F800] =	vst v63  }
0xe8: {  	_ =	swait.ge [sflag:s31], $0x4000  }
0xe9: {  	[sflag:s31] =	ssyncset.done $0x0  }
0xea: {  	[sflag:s31] =	ssyncadd.s32 $0xFFFFC000  }
0xeb: {  	[spmem:s3] =	stream.indirect.scatter.add.f32 [tilespmem:s28], [sflag:$0x3], $0x80, s0, s25, $0xb8;
	[tilespmem:$0x1F800] =	vst v63  }
0xec: {  	_ =	swait.ge [sflag:s22], $0x4000  }
0xed: {  	[sflag:s22] =	ssyncset.done $0x0  }
0xee: {  	[sflag:s22] =	ssyncadd.s32 $0xFFFFC000  }
0xef: {  	v1 =	vld [tilespmem:s17+$0x14100];
	_ =	sdelay $0x4  }
0xf0: {  	[tilespmem:$0x14D00] =	vst v1  }
0xf1: {  	v1 =	vld [tilespmem:s17+$0x14780];
	_ =	sdelay $0x4  }
0xf2: {  	[tilespmem:$0x14D80] =	vst v1  }
0xf3: {  	v1 =	vld [tilespmem:s17+$0x14110];
	_ =	sdelay $0x4  }
0xf4: {  	[tilespmem:$0x14D10] =	vst v1  }
0xf5: {  	v1 =	vld [tilespmem:s17+$0x14790];
	_ =	sdelay $0x4  }
0xf6: {  	[tilespmem:$0x14D90] =	vst v1  }
0xf7: {  	v1 =	vld [tilespmem:s17+$0x14120];
	_ =	sdelay $0x4  }
0xf8: {  	[tilespmem:$0x14D20] =	vst v1  }
0xf9: {  	v1 =	vld [tilespmem:s17+$0x147A0];
	_ =	sdelay $0x4  }
0xfa: {  	[tilespmem:$0x14DA0] =	vst v1  }
0xfb: {  	v1 =	vld [tilespmem:s17+$0x14130];
	_ =	sdelay $0x4  }
0xfc: {  	[tilespmem:$0x14D30] =	vst v1  }
0xfd: {  	v1 =	vld [tilespmem:s17+$0x147B0];
	_ =	sdelay $0x4  }
0xfe: {  	[tilespmem:$0x14DB0] =	vst v1  }
0xff: {  	v1 =	vld [tilespmem:s17+$0x14140];
	_ =	sdelay $0x4  }
0x100: {  	[tilespmem:$0x14D40] =	vst v1  }
0x101: {  	v1 =	vld [tilespmem:s17+$0x147C0];
	_ =	sdelay $0x4  }
0x102: {  	[tilespmem:$0x14DC0] =	vst v1  }
0x103: {  	v1 =	vld [tilespmem:s17+$0x14150];
	_ =	sdelay $0x4  }
0x104: {  	[tilespmem:$0x14D50] =	vst v1  }
0x105: {  	v1 =	vld [tilespmem:s17+$0x147D0];
	_ =	sdelay $0x4  }
0x106: {  	[tilespmem:$0x14DD0] =	vst v1  }
0x107: {  	v1 =	vld [tilespmem:s17+$0x14160];
	_ =	sdelay $0x4  }
0x108: {  	[tilespmem:$0x14D60] =	vst v1  }
0x109: {  	v1 =	vld [tilespmem:s17+$0x147E0];
	_ =	sdelay $0x4  }
0x10a: {  	[tilespmem:$0x14DE0] =	vst v1  }
0x10b: {  	v1 =	vld [tilespmem:s17+$0x14170];
	_ =	sdelay $0x4  }
0x10c: {  	[tilespmem:$0x14D70] =	vst v1  }
0x10d: {  	v1 =	vld [tilespmem:s17+$0x147F0];
	_ =	sdelay $0x4  }
0x10e: {  	[tilespmem:$0x14DF0] =	vst v1  }
0x10f: {  	[tilespmem:s28], [sflag:$0x1] =	stream.indirect.gather [hbm4b:s1+s25], $0x80, s26, s25, $0xb8;
	[tilespmem:$0x1F800] =	vst v63  }
0x110: {  	_ =	swait.ge [sflag:s2], $0x4000  }
.Ltmp1:
0x111: {  	[sflag:s2] =	ssyncset.done $0x0;
	(pc) =	sbr.rel @p0 .LBB2_5-.Ltmp1, $4  }
0x112: {  	[sflag:s2] =	ssyncadd.s32 $0xFFFFC000  }
0x113: {  	[spmem:s3] =	stream.indirect.scatter.add.f32 [tilespmem:s30], [sflag:$0x3], $0x80, s4, s25, $0xb8;
	[tilespmem:$0x1F800] =	vst v63  }
0x114: {  	_ =	swait.ge [sflag:s22], $0x4000  }
0x115: {  	s16 =	smov.u32 s18;
	[sflag:s22] =	ssyncset.done $0x0  }
0x116: {  	s15 =	sshra.s32 s15, $0x2;
	[sflag:s22] =	ssyncadd.s32 $0xFFFFC000  }
0x117: {  	v1 =	vld [tilespmem:s15+$0x14080];
	_ =	sdelay $0x4  }
0x118: {  	[tilespmem:$0x14E00] =	vst v1  }
0x119: {  	v1 =	vld [tilespmem:s15+$0x14700];
	_ =	sdelay $0x4  }
0x11a: {  	[tilespmem:$0x14E80] =	vst v1  }
0x11b: {  	v1 =	vld [tilespmem:s15+$0x14090];
	_ =	sdelay $0x4  }
0x11c: {  	[tilespmem:$0x14E10] =	vst v1  }
0x11d: {  	v1 =	vld [tilespmem:s15+$0x14710];
	_ =	sdelay $0x4  }
0x11e: {  	[tilespmem:$0x14E90] =	vst v1  }
0x11f: {  	v1 =	vld [tilespmem:s15+$0x140A0];
	_ =	sdelay $0x4  }
0x120: {  	[tilespmem:$0x14E20] =	vst v1  }
0x121: {  	v1 =	vld [tilespmem:s15+$0x14720];
	_ =	sdelay $0x4  }
0x122: {  	[tilespmem:$0x14EA0] =	vst v1  }
0x123: {  	v1 =	vld [tilespmem:s15+$0x140B0];
	_ =	sdelay $0x4  }
0x124: {  	[tilespmem:$0x14E30] =	vst v1  }
0x125: {  	v1 =	vld [tilespmem:s15+$0x14730];
	_ =	sdelay $0x4  }
0x126: {  	[tilespmem:$0x14EB0] =	vst v1  }
0x127: {  	v1 =	vld [tilespmem:s15+$0x140C0];
	_ =	sdelay $0x4  }
0x128: {  	[tilespmem:$0x14E40] =	vst v1  }
0x129: {  	v1 =	vld [tilespmem:s15+$0x14740];
	_ =	sdelay $0x4  }
0x12a: {  	[tilespmem:$0x14EC0] =	vst v1  }
0x12b: {  	v1 =	vld [tilespmem:s15+$0x140D0];
	_ =	sdelay $0x4  }
0x12c: {  	[tilespmem:$0x14E50] =	vst v1  }
0x12d: {  	v1 =	vld [tilespmem:s15+$0x14750];
	_ =	sdelay $0x4  }
0x12e: {  	[tilespmem:$0x14ED0] =	vst v1  }
0x12f: {  	v1 =	vld [tilespmem:s15+$0x140E0];
	_ =	sdelay $0x4  }
0x130: {  	[tilespmem:$0x14E60] =	vst v1  }
0x131: {  	v1 =	vld [tilespmem:s15+$0x14760];
	_ =	sdelay $0x4  }
0x132: {  	[tilespmem:$0x14EE0] =	vst v1  }
0x133: {  	v1 =	vld [tilespmem:s15+$0x140F0];
	_ =	sdelay $0x4  }
0x134: {  	[tilespmem:$0x14E70] =	vst v1  }
0x135: {  	v1 =	vld [tilespmem:s15+$0x14770];
	_ =	sdelay $0x4  }
0x136: {  	[tilespmem:$0x14EF0] =	vst v1  }
0x137: {  	[tilespmem:s30], [sflag:$0x2] =	stream.indirect.gather [hbm4b:s1+s25], $0x80, s29, s25, $0xb8;
	[tilespmem:$0x1F800] =	vst v63  }
0x138: {  	_ =	swait.ge [sflag:s31], $0x4000  }
0x139: {  	[sflag:s31] =	ssyncset.done $0x0  }
0x13a: {  	[sflag:s31] =	ssyncadd.s32 $0xFFFFC000  }
0x13b: {  	[spmem:s3] =	stream.indirect.scatter.add.f32 [tilespmem:s28], [sflag:$0x3], $0x80, s0, s25, $0xb8;
	[tilespmem:$0x1F800] =	vst v63  }
0x13c: {  	_ =	swait.ge [sflag:s22], $0x4000  }
0x13d: {  	[sflag:s22] =	ssyncset.done $0x0  }
0x13e: {  	[sflag:s22] =	ssyncadd.s32 $0xFFFFC000  }
0x13f: {  	v1 =	vld [tilespmem:s15+$0x14100];
	_ =	sdelay $0x4  }
0x140: {  	[tilespmem:$0x14D00] =	vst v1  }
0x141: {  	v1 =	vld [tilespmem:s15+$0x14780];
	_ =	sdelay $0x4  }
0x142: {  	[tilespmem:$0x14D80] =	vst v1  }
0x143: {  	v1 =	vld [tilespmem:s15+$0x14110];
	_ =	sdelay $0x4  }
0x144: {  	[tilespmem:$0x14D10] =	vst v1  }
0x145: {  	v1 =	vld [tilespmem:s15+$0x14790];
	_ =	sdelay $0x4  }
0x146: {  	[tilespmem:$0x14D90] =	vst v1  }
0x147: {  	v1 =	vld [tilespmem:s15+$0x14120];
	_ =	sdelay $0x4  }
0x148: {  	[tilespmem:$0x14D20] =	vst v1  }
0x149: {  	v1 =	vld [tilespmem:s15+$0x147A0];
	_ =	sdelay $0x4  }
0x14a: {  	[tilespmem:$0x14DA0] =	vst v1  }
0x14b: {  	v1 =	vld [tilespmem:s15+$0x14130];
	_ =	sdelay $0x4  }
0x14c: {  	[tilespmem:$0x14D30] =	vst v1  }
0x14d: {  	v1 =	vld [tilespmem:s15+$0x147B0];
	_ =	sdelay $0x4  }
0x14e: {  	[tilespmem:$0x14DB0] =	vst v1  }
0x14f: {  	v1 =	vld [tilespmem:s15+$0x14140];
	_ =	sdelay $0x4  }
0x150: {  	[tilespmem:$0x14D40] =	vst v1  }
0x151: {  	v1 =	vld [tilespmem:s15+$0x147C0];
	_ =	sdelay $0x4  }
0x152: {  	[tilespmem:$0x14DC0] =	vst v1  }
0x153: {  	v1 =	vld [tilespmem:s15+$0x14150];
	_ =	sdelay $0x4  }
0x154: {  	[tilespmem:$0x14D50] =	vst v1  }
0x155: {  	v1 =	vld [tilespmem:s15+$0x147D0];
	_ =	sdelay $0x4  }
0x156: {  	[tilespmem:$0x14DD0] =	vst v1  }
0x157: {  	v1 =	vld [tilespmem:s15+$0x14160];
	_ =	sdelay $0x4  }
0x158: {  	[tilespmem:$0x14D60] =	vst v1  }
0x159: {  	v1 =	vld [tilespmem:s15+$0x147E0];
	_ =	sdelay $0x4  }
0x15a: {  	[tilespmem:$0x14DE0] =	vst v1  }
0x15b: {  	v1 =	vld [tilespmem:s15+$0x14170];
	_ =	sdelay $0x4  }
0x15c: {  	[tilespmem:$0x14D70] =	vst v1  }
0x15d: {  	v1 =	vld [tilespmem:s15+$0x147F0];
	_ =	sdelay $0x4  }
0x15e: {  	[tilespmem:$0x14DF0] =	vst v1  }
0x15f: {  	[tilespmem:s28], [sflag:$0x1] =	stream.indirect.gather [hbm4b:s1+s25], $0x80, s26, s25, $0xb8;
	[tilespmem:$0x1F800] =	vst v63  }
0x160: {  	_ =	swait.ge [sflag:s2], $0x4000  }
0x161: {  	[sflag:s2] =	ssyncset.done $0x0  }
0x162: {  	[sflag:s2] =	ssyncadd.s32 $0xFFFFC000  }
0x163: {  	[spmem:s3] =	stream.indirect.scatter.add.f32 [tilespmem:s30], [sflag:$0x3], $0x80, s4, s25, $0xb8;
	[tilespmem:$0x1F800] =	vst v63  }
0x164: {  	_ =	swait.ge [sflag:s22], $0x4000  }
0x165: {  	[sflag:s22] =	ssyncset.done $0x0  }
0x166: {  	[sflag:s22] =	ssyncadd.s32 $0xFFFFC000  }
0x167: {  	s14 =	sadd.s32 $0x1, s14;
	_ =	swait.ge [sflag:s31], $0x4000  }
0x168: {  	p0 =	sne.s32 s14, $0x6;
	[sflag:s31] =	ssyncset.done $0x0  }
.Ltmp2:
0x169: {  	[sflag:s31] =	ssyncadd.s32 $0xFFFFC000;
	(pc) =	sbr.rel @p0 .LBB2_4-.Ltmp2, $4  }
0x16a: {  	[spmem:s3] =	stream.indirect.scatter.add.f32 [tilespmem:s28], [sflag:$0x3], $0x80, s0, s25, $0xb8;
	[tilespmem:$0x1F800] =	vst v63  }
0x16b: {  	_ =	swait.ge [sflag:s22], $0x4000  }
0x16c: {  	[sflag:s22] =	ssyncset.done $0x0  }
0x16d: {  	[sflag:s22] =	ssyncadd.s32 $0xFFFFC000  }
0x16e: {  	s13 =	simm.s32 $0x0;
	s14 =	rddreg [dreg:$0x4]  }
0x16f: {  	[tilespmem:s8], [sflag:$0x3] =	stream.linear.gather [hbm4b:s14+s13], $0x10, $0x38;
	[tilespmem:$0x1F800] =	vst v63  }
0x170: {  	_ =	swait.ge [sflag:s22], $0x10  }
0x171: {  	[sflag:s22] =	ssyncset.done $0x0  }
0x172: {  	s15 =	rddreg [dreg:$0x5];
	[sflag:s22] =	ssyncadd.s32 $0xFFFFFFF0  }
0x173: {  	[tilespmem:s9], [sflag:$0x3] =	stream.linear.gather [hbm4b:s15+s13], $0x10, $0x38;
	[tilespmem:$0x1F800] =	vst v63  }
0x174: {  	_ =	swait.ge [sflag:s22], $0x10  }
0x175: {  	[sflag:s22] =	ssyncset.done $0x0  }
0x176: {  	[sflag:s22] =	ssyncadd.s32 $0xFFFFFFF0  }
0x177: {  	[tilespmem:s11], [sflag:$0x1] =	stream.indirect.gather [hbm4b:s1+s10], $0x80, s8, s10, $0xb8;
	[tilespmem:$0x1F800] =	vst v63  }
0x178: {  	_ =	swait.ge [sflag:s31], $0x800  }
0x179: {  	[sflag:s31] =	ssyncset.done $0x0  }
0x17a: {  	[sflag:s31] =	ssyncadd.s32 $0xFFFFF800  }
0x17b: {  	[spmem:s3] =	stream.indirect.scatter.add.f32 [tilespmem:s11], [sflag:$0x3], $0x80, s9, s10, $0xb8;
	[tilespmem:$0x1F800] =	vst v63  }
0x17c: {  	_ =	swait.ge [sflag:s22], $0x800  }
0x17d: {  	[sflag:s22] =	ssyncset.done $0x0  }
0x17e: {  	s16 =	stileid.u32;
	[sflag:s22] =	ssyncadd.s32 $0xFFFFF800  }
0x17f: {  	s13 =	sshll.u32 s16, $0x6;
	[bflag:$0x0] =	sbarrier.arrive $0xFFFF  }
0x180: {  	s17 =	sshrl.u32 s7, $0x3;
	s13 =	sor.u32 $0x1C03, s13;
	s15 =	rddreg [dreg:$0x6]  }
0x181: {  	[hbm:s15], [sflag:s13] =	dma.local [spmem:s17], $0x2800  }
0x182: {  	_ =	swait.ge [sflag:s22], $0x2800  }
0x183: {  	s12 =	sadd.s32 $0x1, s12;
	s18 =	rddreg [dreg:$0x7]  }
0x184: {  	p0 =	sne.s32 s12, s18  }
.Ltmp3:
0x185: {  	_ = 	snop;
	(pc) =	sbr.rel @p0 .LBB2_1-.Ltmp3, $3  }
0x186: {  	_ =	sdelay $0x1  }
0x187: {  	[sflag:s22] =	ssyncset.done $0x0  }
0x188: {  	[sflag:s22] =	ssyncadd.s32 $0xFFFFD800  }
0x189: {  	_ =	sfence.sel $0x180000  }
0x18a: {  	[bflag:$0x0] =	sbarrier.arrive $0xFFFF  }
0x18b: {  	_ =	strace $0x9000004A  }
0x18c: {  	s0 =	stileid.u32;
	[bflag:$0x2] =	sbarrier.arrive $0xFFFF  }
0x18d: {  	p0 =	sne.s32 s0, $0x0;
	s0 =	rddreg [dreg:$0x3]  }
0x18e: {  	s0 =	sadd.s32 @!p0 $0x100000, s0  }
0x18f: {  	[sflag:s0] =	ssyncadd.tile.s32 @!p0 $0x1;
	_ =	shalt  }
.Lfunc_end2:
_tile_overlayer_lowered:
.L_overlay_start_2:
0x190: {  	(tag) =	ssettag $0x2  }
0x191: {  	s0 =	rddreg [dreg:$0x0];
	s2 =	stileid.u32  }
0x192: {  	s1 =	rddreg [dreg:$0x1];
	p0 =	sne.s32 s2, $0x0  }
0x193: {  	s3 =	rddreg [dreg:$0x2];
	[bflag:$0x3] =	sbarrier.arrive $0xFFFF;
	s2 =	simm.s32 @!p0 $0x1C03  }
0x194: {  	[timem:s3], [sflag:s2] =	dma.local @!p0 [hbm:s0], s1  }
0x195: {  	s0 =	simm.s32 @!p0 $0x3  }
0x196: {  	_ =	swait.ge @!p0 [sflag:s0], s1  }
0x197: {  	s1 =	ssub.s32 @!p0 $0x0, s1;
	[sflag:s0] =	ssyncset.done @!p0 $0x0  }
0x198: {  	[sflag:s0] =	ssyncadd.s32 @!p0 s1  }
0x199: {  	[bflag:$0x3] =	sbarrier.arrive $0xFFFF  }
0x19a: {  	_ =	shalt  }

</sc_bundles>
